<compile_context>
chip_gen: v7x
topology: tpu7x:2x2x1
jax: 0.10.2.dev20260603
libtpu: 0.0.44.dev20260713+nightly
codegen_flags: <defaults>
</compile_context>

<pallas_src>
import functools

import jax
import jax.numpy as jnp
from jax import lax
from jax.experimental import pallas as pl
from jax.experimental.pallas import tpu as pltpu
from jax.experimental.pallas import tpu_sc as plsc

N = 10000
E = 160000
NC = 2
NS = 16
NW = NC * NS
LANES = 16
UNROLL = 4
EPW = 4992
EBUF = E - (NW - 1) * EPW
CHUNKS = EBUF // LANES
NPAD = 10240
PBUF = NPAD + LANES
SENT = NPAD


NPW = NPAD // NW


def _sc_segment_last(s0f, ei):
  mesh = plsc.VectorSubcoreMesh(core_axis_name="c", subcore_axis_name="s")

  @functools.partial(
      pl.kernel,
      out_type=(jax.ShapeDtypeStruct((NW * NPAD,), jnp.int32),
                jax.ShapeDtypeStruct((3 * NPAD,), jnp.float32)),
      mesh=mesh,
      compiler_params=pltpu.CompilerParams(needs_layout_passes=False),
      scratch_types=[
          pltpu.VMEM((3 * N,), jnp.float32),
          pltpu.VMEM((2, EBUF), jnp.int32),
          pltpu.VMEM((PBUF,), jnp.int32),
          pltpu.VMEM((EBUF,), jnp.int32),
          pltpu.VMEM((EBUF,), jnp.int32),
          pltpu.VMEM((3 * NPW,), jnp.float32),
          pltpu.SemaphoreType.DMA,
          pltpu.SemaphoreType.DMA,
      ],
  )
  def k(s0_hbm, ei_hbm, out_hbm, st_hbm, s0_v, ei_v, p_v,
        dsel_v, vsel_v, st_v, sem0, sem1):
    wid = lax.axis_index("s") * NC + lax.axis_index("c")
    base = jnp.minimum(wid * EPW, E - EBUF)
    cp0 = pltpu.async_copy(s0_hbm, s0_v, sem0)
    cp1 = pltpu.async_copy(ei_hbm.at[:, pl.ds(base, EBUF)], ei_v, sem1)

    lane = lax.iota(jnp.int32, LANES)
    minus1 = jnp.full((LANES,), -1, jnp.int32)
    is_last = lane == LANES - 1
    nxt = jnp.minimum(lane + 1, LANES - 1)

    def init_body(i, carry):
      off = i * (LANES * 8)
      for u in range(8):
        p_v[pl.ds(off + u * LANES, LANES)] = minus1
      return carry

    lax.fori_loop(0, PBUF // (LANES * 8), init_body, 0)
    for r in range(PBUF % (LANES * 8) // LANES):
      p_v[pl.ds(PBUF - (r + 1) * LANES, LANES)] = minus1

    cp0.wait()
    cp1.wait()

    n0 = wid * NPW
    for c in range(NPW // LANES):
      nn = jnp.minimum(n0 + c * LANES + lane, N - 1) * 3
      for t in range(3):
        st_v[pl.ds(t * NPW + c * LANES, LANES)] = plsc.load_gather(
            s0_v, [nn + t])
    for t in range(3):
      pltpu.sync_copy(st_v.at[pl.ds(t * NPW, NPW)],
                      st_hbm.at[pl.ds(t * NPAD + n0, NPW)])

    def front(off):
      s = ei_v[0, pl.ds(off, LANES)]
      d = ei_v[1, pl.ds(off, LANES)]
      s3 = s * 3
      g0 = plsc.load_gather(s0_v, [s3])
      g1 = plsc.load_gather(s0_v, [s3 + 1])
      g2 = plsc.load_gather(s0_v, [s3 + 2])
      bit = (jnp.maximum(g1, g2) > g0).astype(jnp.int32)
      packed = (base + off + lane) * 2 + bit
      key = d * LANES + lane
      ks, vs = plsc.sort_key_val(key, packed)
      dsort = lax.shift_right_logical(ks, 4)
      dnext = lax.gather(
          dsort, nxt[:, None],
          lax.GatherDimensionNumbers(
              offset_dims=(), collapsed_slice_dims=(0,),
              start_index_map=(0,)),
          slice_sizes=(1,),
          mode=lax.GatherScatterMode.PROMISE_IN_BOUNDS)
      wmask = jnp.logical_or(is_last, dsort != dnext)
      dsel_v[pl.ds(off, LANES)] = jnp.where(wmask, dsort, SENT)
      vsel_v[pl.ds(off, LANES)] = vs

    @plsc.parallel_loop(0, CHUNKS, unroll=4)
    def _(i):
      front(i * LANES)

    def scat(i, carry):
      off = i * (LANES * UNROLL)
      for u in range(UNROLL):
        o = off + u * LANES
        plsc.store_scatter(
            p_v, [dsel_v[pl.ds(o, LANES)]], vsel_v[pl.ds(o, LANES)])
      return carry

    lax.fori_loop(0, CHUNKS // UNROLL, scat, 0)

    pltpu.sync_copy(p_v.at[pl.ds(0, NPAD)], out_hbm.at[pl.ds(wid * NPAD, NPAD)])

  return k(s0f, ei)


def _tc_update(pflat, stf, Tm):

  def body(p_ref, st_ref, tm_ref, out_ref):
    acc = p_ref[pl.ds(0, NPAD)]
    for w in range(1, NW):
      acc = jnp.maximum(acc, p_ref[pl.ds(w * NPAD, NPAD)])
    packed = jnp.reshape(acc, (1, NPAD))
    b = jnp.logical_and(packed >= 0, lax.bitwise_and(packed, 1) == 1)
    node = lax.broadcasted_iota(jnp.int32, (1, NPAD), 1)
    odd = lax.bitwise_and(node, 1) == 1
    t = tm_ref[...]
    m = jnp.max(t, axis=1, keepdims=True)
    e = jnp.exp(t - m)
    sm = e / jnp.sum(e, axis=1, keepdims=True)
    st = jnp.concatenate(
        [jnp.reshape(st_ref[pl.ds(s * NPAD, NPAD)], (1, NPAD))
         for s in range(3)], axis=0)
    dn = (((0,), (0,)), ((), ()))
    hi = lax.Precision.HIGHEST
    a0 = lax.dot_general(sm[0:3, :], st, dn, precision=hi)
    a1 = lax.dot_general(sm[3:6, :], st, dn, precision=hi)
    a3 = lax.dot_general(sm[9:12, :], st, dn, precision=hi)
    res = jnp.where(b, jnp.where(odd, a1, a3), a0)
    out_ref[...] = res[:, 0:N]

  return pl.pallas_call(
      body,
      out_shape=jax.ShapeDtypeStruct((3, N), jnp.float32),
  )(pflat, stf, Tm)


def kernel(s0, edge_index, T):
  pflat, stf = _sc_segment_last(s0.reshape(3 * N), edge_index)
  res = _tc_update(pflat, stf, T.reshape(27, 3))
  return res.T

# --- scband reference (transcript-rebuilt; emitter-appended) ---
"""Pipeline reference for scband-neural-ca-22179211117287 (READ-ONLY COPY).

The authoritative reference and input builder live on the scoring server;
editing this copy changes nothing except your own understanding.
"""

import jax, jax.numpy as jnp
import numpy as np


def setup_inputs(seed: int = 0):
    key = jax.random.key(seed)
    k1, k2, k3 = jax.random.split(key, 3)
    N = 10000
    E = 160000
    STATE_N = 3
    CHAR_N = 9
    s0 = jax.random.uniform(k1, (N, STATE_N), dtype=jnp.float32)
    edge_index = jax.random.randint(k2, (2, E), 0, N, dtype=jnp.int32)
    T = jax.random.uniform(k3, (CHAR_N, STATE_N, STATE_N), dtype=jnp.float32)
    return {"s0": s0, "edge_index": edge_index, "T": T}


def _forward(s0, T, edge_index):
    # NeuralCA.forward with iterations=1, hardmax=False, GRID_SIZE=2.
    # With GRID_SIZE=2 every dst node hits one of the two boundary branches in
    # TransitionLayer.aggregate: even dst -> out[dst,1] = argmax(msg), odd dst ->
    # out[dst,0] = argmax(msg). Repeated writes overwrite, so the LAST edge (in
    # edge order) targeting each dst wins; nodes with no incoming edge keep 0.
    N = s0.shape[0]
    E = edge_index.shape[1]
    src = edge_index[0]
    dst = edge_index[1]
    T_soft = jax.nn.softmax(T, axis=-1)
    pos = jnp.arange(E, dtype=jnp.int32)
    last_edge = jax.ops.segment_max(pos, dst, num_segments=N)
    deg = jax.ops.segment_sum(jnp.ones((E,), dtype=jnp.int32), dst, num_segments=N)
    has_edge = deg > 0
    le = jnp.clip(last_edge, 0, E - 1)
    # message for edge e is x_j = s0[src[e]]; aggregate stores argmax of it
    vals = jnp.argmax(s0[src[le]], axis=-1).astype(jnp.float32)
    vals = jnp.where(has_edge, vals, 0.0)
    node = jnp.arange(N)
    slot0 = jnp.where(node % 2 == 1, vals, 0.0)
    slot1 = jnp.where(node % 2 == 0, vals, 0.0)
    out = jnp.stack([slot0, slot1], axis=1)
    # threshold 0.5 then clamp to [0,1]
    aggr = jnp.clip((out > 0.5).astype(jnp.float32), 0.0, 1.0)
    # update: char = one_hot(aggr[:,0]*3^0 + aggr[:,1]*3^1, base 3 -> length 9)
    # new_state = einsum('x,s,xst->t', char, state, T_soft) == state @ T_soft[char_idx]
    char_idx = (aggr[:, 0] + 3.0 * aggr[:, 1]).astype(jnp.int32)
    new_s = jnp.einsum('ns,nst->nt', s0, T_soft[char_idx])
    return new_s


def reference(s0, edge_index, T):
    return _forward(s0, T, edge_index)

if __name__ == "__main__":
    import jax
    _d = setup_inputs()
    print(jax.jit(kernel)(*tuple(_d.values())))

</pallas_src>

<mosaic_0001>
#map = affine_map<(d0, d1) -> (0)>
#map1 = affine_map<(d0, d1) -> (0, 0)>
module attributes {stable_mosaic.version = 14 : i64} {
  func.func @k(%arg0: i32, %arg1: i32, %arg2: memref<30000xf32, #tpu.memory_space<hbm>>, %arg3: memref<2x160000xi32, #tpu.memory_space<hbm>>, %arg4: memref<327680xi32, #tpu.memory_space<hbm>>, %arg5: memref<30720xf32, #tpu.memory_space<hbm>>, %arg6: memref<30000xf32, #tpu.memory_space<vmem>>, %arg7: memref<2x5248xi32, #tpu.memory_space<vmem>>, %arg8: memref<10256xi32, #tpu.memory_space<vmem>>, %arg9: memref<5248xi32, #tpu.memory_space<vmem>>, %arg10: memref<5248xi32, #tpu.memory_space<vmem>>, %arg11: memref<960xf32, #tpu.memory_space<vmem>>, %arg12: memref<!tpu.dma_semaphore, #tpu.memory_space<semaphore_mem>>, %arg13: memref<!tpu.dma_semaphore, #tpu.memory_space<semaphore_mem>>) attributes {dimension_semantics = [#tpu.dimension_semantics<core_parallel>, #tpu.dimension_semantics<subcore_parallel>], iteration_bounds = array<i64: 2, 16>, scalar_prefetch = 0 : i64, scratch_operands = 8 : i64, tpu.core_type = #tpu.core_type<sc_vector_subcore>, window_params = [{transform_indices = #map}, {transform_indices = #map1}, {transform_indices = #map}, {transform_indices = #map}]} {
    %mul3A = arith.constant 2 : i32
    %mul3A_0 = arith.muli %arg1, %mul3A : i32
    %add3A = arith.addi %mul3A_0, %arg0 : i32
    %mul3A_1 = arith.constant 4992 : i32
    %mul3A_2 = arith.muli %add3A, %mul3A_1 : i32
    %min3A = arith.constant 154752 : i32
    %min3A_3 = arith.minsi %mul3A_2, %min3A : i32
    tpu.enqueue_dma source(%arg2 : memref<30000xf32, #tpu.memory_space<hbm>>) target(%arg6 : memref<30000xf32, #tpu.memory_space<vmem>>) target_semaphore(%arg12 : memref<!tpu.dma_semaphore, #tpu.memory_space<semaphore_mem>>)
    %dma_start3A = arith.constant 0 : i32
    %dma_start3A_4 = tpu.memref_slice %arg3[%dma_start3A, %min3A_3] : memref<2x160000xi32, #tpu.memory_space<hbm>> -> memref<2x5248xi32, #tpu.memory_space<hbm>>
    %dma_start3A_5 = arith.constant 0 : i32
    %dma_start3A_6 = tpu.memref_slice %arg3[%dma_start3A_5, %min3A_3] : memref<2x160000xi32, #tpu.memory_space<hbm>> -> memref<2x5248xi32, #tpu.memory_space<hbm>>
    tpu.enqueue_dma source(%dma_start3A_6 : memref<2x5248xi32, #tpu.memory_space<hbm>>) target(%arg7 : memref<2x5248xi32, #tpu.memory_space<vmem>>) target_semaphore(%arg13 : memref<!tpu.dma_semaphore, #tpu.memory_space<semaphore_mem>>)
    %iota3A = tpu.iota {dimensions = array<i32: 0>} : vector<16xi32>
    %broadcast_in_dim3A = arith.constant -1 : i32
    %broadcast_in_dim3A_7 = vector.broadcast %broadcast_in_dim3A : i32 to vector<16xi32>
    %eq3A = arith.constant 15 : i32
    %eq3A_8 = vector.broadcast %eq3A : i32 to vector<16xi32>
    %eq3A_9 = arith.cmpi eq, %iota3A, %eq3A_8 : vector<16xi32>
    %add3A_10 = arith.constant 1 : i32
    %add3A_11 = vector.broadcast %add3A_10 : i32 to vector<16xi32>
    %add3A_12 = arith.addi %iota3A, %add3A_11 : vector<16xi32>
    %min3A_13 = arith.constant 15 : i32
    %min3A_14 = vector.broadcast %min3A_13 : i32 to vector<16xi32>
    %min3A_15 = arith.minsi %add3A_12, %min3A_14 : vector<16xi32>
    %scan3A = arith.constant 0 : i32
    %scan3A_16 = arith.constant 0 : i32
    %scan3A_17 = arith.constant 80 : i32
    %scan3A_18 = arith.addi %scan3A_16, %scan3A_17 : i32
    %scan3A_19 = arith.constant 1 : i32
    scf.for %scan3A_602 = %scan3A_16 to %scan3A_18 step %scan3A_19  : i32 {
      %mul3A_603 = arith.constant 128 : i32
      %mul3A_604 = arith.muli %scan3A_602, %mul3A_603 : i32
      %add3A_605 = arith.constant 0 : i32
      %add3A_606 = arith.addi %mul3A_604, %add3A_605 : i32
      %swap3A_607 = arith.index_cast %add3A_606 : i32 to index
      %swap3A_608 = tpu.vector_load %arg8[%swap3A_607] {strides = array<i32>} : memref<10256xi32, #tpu.memory_space<vmem>>, vector<16xi32>,
      tpu.vector_store %arg8[%swap3A_607], %broadcast_in_dim3A_7 {strides = array<i32>} : memref<10256xi32, #tpu.memory_space<vmem>>, vector<16xi32>,
      %add3A_609 = arith.constant 16 : i32
      %add3A_610 = arith.addi %mul3A_604, %add3A_609 : i32
      %swap3A_611 = arith.index_cast %add3A_610 : i32 to index
      %swap3A_612 = tpu.vector_load %arg8[%swap3A_611] {strides = array<i32>} : memref<10256xi32, #tpu.memory_space<vmem>>, vector<16xi32>,
      tpu.vector_store %arg8[%swap3A_611], %broadcast_in_dim3A_7 {strides = array<i32>} : memref<10256xi32, #tpu.memory_space<vmem>>, vector<16xi32>,
      %add3A_613 = arith.constant 32 : i32
      %add3A_614 = arith.addi %mul3A_604, %add3A_613 : i32
      %swap3A_615 = arith.index_cast %add3A_614 : i32 to index
      %swap3A_616 = tpu.vector_load %arg8[%swap3A_615] {strides = array<i32>} : memref<10256xi32, #tpu.memory_space<vmem>>, vector<16xi32>,
      tpu.vector_store %arg8[%swap3A_615], %broadcast_in_dim3A_7 {strides = array<i32>} : memref<10256xi32, #tpu.memory_space<vmem>>, vector<16xi32>,
      %add3A_617 = arith.constant 48 : i32
      %add3A_618 = arith.addi %mul3A_604, %add3A_617 : i32
      %swap3A_619 = arith.index_cast %add3A_618 : i32 to index
      %swap3A_620 = tpu.vector_load %arg8[%swap3A_619] {strides = array<i32>} : memref<10256xi32, #tpu.memory_space<vmem>>, vector<16xi32>,
      tpu.vector_store %arg8[%swap3A_619], %broadcast_in_dim3A_7 {strides = array<i32>} : memref<10256xi32, #tpu.memory_space<vmem>>, vector<16xi32>,
      %add3A_621 = arith.constant 64 : i32
      %add3A_622 = arith.addi %mul3A_604, %add3A_621 : i32
      %swap3A_623 = arith.index_cast %add3A_622 : i32 to index
      %swap3A_624 = tpu.vector_load %arg8[%swap3A_623] {strides = array<i32>} : memref<10256xi32, #tpu.memory_space<vmem>>, vector<16xi32>,
      tpu.vector_store %arg8[%swap3A_623], %broadcast_in_dim3A_7 {strides = array<i32>} : memref<10256xi32, #tpu.memory_space<vmem>>, vector<16xi32>,
      %add3A_625 = arith.constant 80 : i32
      %add3A_626 = arith.addi %mul3A_604, %add3A_625 : i32
      %swap3A_627 = arith.index_cast %add3A_626 : i32 to index
      %swap3A_628 = tpu.vector_load %arg8[%swap3A_627] {strides = array<i32>} : memref<10256xi32, #tpu.memory_space<vmem>>, vector<16xi32>,
      tpu.vector_store %arg8[%swap3A_627], %broadcast_in_dim3A_7 {strides = array<i32>} : memref<10256xi32, #tpu.memory_space<vmem>>, vector<16xi32>,
      %add3A_629 = arith.constant 96 : i32
      %add3A_630 = arith.addi %mul3A_604, %add3A_629 : i32
      %swap3A_631 = arith.index_cast %add3A_630 : i32 to index
      %swap3A_632 = tpu.vector_load %arg8[%swap3A_631] {strides = array<i32>} : memref<10256xi32, #tpu.memory_space<vmem>>, vector<16xi32>,
      tpu.vector_store %arg8[%swap3A_631], %broadcast_in_dim3A_7 {strides = array<i32>} : memref<10256xi32, #tpu.memory_space<vmem>>, vector<16xi32>,
      %add3A_633 = arith.constant 112 : i32
      %add3A_634 = arith.addi %mul3A_604, %add3A_633 : i32
      %swap3A_635 = arith.index_cast %add3A_634 : i32 to index
      %swap3A_636 = tpu.vector_load %arg8[%swap3A_635] {strides = array<i32>} : memref<10256xi32, #tpu.memory_space<vmem>>, vector<16xi32>,
      tpu.vector_store %arg8[%swap3A_635], %broadcast_in_dim3A_7 {strides = array<i32>} : memref<10256xi32, #tpu.memory_space<vmem>>, vector<16xi32>,
    }
    %scan3A_20 = arith.constant 80 : i32
    %swap3A = arith.constant 10240 : index
    %swap3A_21 = tpu.vector_load %arg8[%swap3A] {strides = array<i32>} : memref<10256xi32, #tpu.memory_space<vmem>>, vector<16xi32>,
    tpu.vector_store %arg8[%swap3A], %broadcast_in_dim3A_7 {strides = array<i32>} : memref<10256xi32, #tpu.memory_space<vmem>>, vector<16xi32>,
    tpu.wait_dma2 semaphore(%arg12 : memref<!tpu.dma_semaphore, #tpu.memory_space<semaphore_mem>>) src(%arg2 : memref<30000xf32, #tpu.memory_space<hbm>>) dst(%arg6 : memref<30000xf32, #tpu.memory_space<vmem>>)
    %dma_wait3A = arith.constant 0 : i32
    %dma_wait3A_22 = tpu.memref_slice %arg3[%dma_wait3A, %min3A_3] : memref<2x160000xi32, #tpu.memory_space<hbm>> -> memref<2x5248xi32, #tpu.memory_space<hbm>>
    %dma_wait3A_23 = arith.constant 0 : i32
    %dma_wait3A_24 = tpu.memref_slice %arg3[%dma_wait3A_23, %min3A_3] : memref<2x160000xi32, #tpu.memory_space<hbm>> -> memref<2x5248xi32, #tpu.memory_space<hbm>>
    tpu.wait_dma2 semaphore(%arg13 : memref<!tpu.dma_semaphore, #tpu.memory_space<semaphore_mem>>) src(%dma_wait3A_24 : memref<2x5248xi32, #tpu.memory_space<hbm>>) dst(%arg7 : memref<2x5248xi32, #tpu.memory_space<vmem>>)
    %mul3A_25 = arith.constant 320 : i32
    %mul3A_26 = arith.muli %add3A, %mul3A_25 : i32
    %add3A_27 = arith.constant 0 : i32
    %add3A_28 = arith.addi %mul3A_26, %add3A_27 : i32
    %add3A_29 = vector.broadcast %add3A_28 : i32 to vector<16xi32>
    %add3A_30 = arith.addi %add3A_29, %iota3A : vector<16xi32>
    %min3A_31 = arith.constant 9999 : i32
    %min3A_32 = vector.broadcast %min3A_31 : i32 to vector<16xi32>
    %min3A_33 = arith.minsi %add3A_30, %min3A_32 : vector<16xi32>
    %mul3A_34 = arith.constant 3 : i32
    %mul3A_35 = vector.broadcast %mul3A_34 : i32 to vector<16xi32>
    %mul3A_36 = arith.muli %min3A_33, %mul3A_35 : vector<16xi32>
    %add3A_37 = arith.constant 0 : i32
    %add3A_38 = vector.broadcast %add3A_37 : i32 to vector<16xi32>
    %add3A_39 = arith.addi %mul3A_36, %add3A_38 : vector<16xi32>
    %gather3A = tpu.vector_load_idx %arg6[%add3A_39] : memref<30000xf32, #tpu.memory_space<vmem>>[vector<16xi32>], vector<16xf32>,
    %swap3A_40 = arith.constant 0 : index
    %swap3A_41 = tpu.vector_load %arg11[%swap3A_40] {strides = array<i32>} : memref<960xf32, #tpu.memory_space<vmem>>, vector<16xf32>,
    tpu.vector_store %arg11[%swap3A_40], %gather3A {strides = array<i32>} : memref<960xf32, #tpu.memory_space<vmem>>, vector<16xf32>,
    %add3A_42 = arith.constant 1 : i32
    %add3A_43 = vector.broadcast %add3A_42 : i32 to vector<16xi32>
    %add3A_44 = arith.addi %mul3A_36, %add3A_43 : vector<16xi32>
    %gather3A_45 = tpu.vector_load_idx %arg6[%add3A_44] : memref<30000xf32, #tpu.memory_space<vmem>>[vector<16xi32>], vector<16xf32>,
    %swap3A_46 = arith.constant 320 : index
    %swap3A_47 = tpu.vector_load %arg11[%swap3A_46] {strides = array<i32>} : memref<960xf32, #tpu.memory_space<vmem>>, vector<16xf32>,
    tpu.vector_store %arg11[%swap3A_46], %gather3A_45 {strides = array<i32>} : memref<960xf32, #tpu.memory_space<vmem>>, vector<16xf32>,
    %add3A_48 = arith.constant 2 : i32
    %add3A_49 = vector.broadcast %add3A_48 : i32 to vector<16xi32>
    %add3A_50 = arith.addi %mul3A_36, %add3A_49 : vector<16xi32>
    %gather3A_51 = tpu.vector_load_idx %arg6[%add3A_50] : memref<30000xf32, #tpu.memory_space<vmem>>[vector<16xi32>], vector<16xf32>,
    %swap3A_52 = arith.constant 640 : index
    %swap3A_53 = tpu.vector_load %arg11[%swap3A_52] {strides = array<i32>} : memref<960xf32, #tpu.memory_space<vmem>>, vector<16xf32>,
    tpu.vector_store %arg11[%swap3A_52], %gather3A_51 {strides = array<i32>} : memref<960xf32, #tpu.memory_space<vmem>>, vector<16xf32>,
    %add3A_54 = arith.constant 16 : i32
    %add3A_55 = arith.addi %mul3A_26, %add3A_54 : i32
    %add3A_56 = vector.broadcast %add3A_55 : i32 to vector<16xi32>
    %add3A_57 = arith.addi %add3A_56, %iota3A : vector<16xi32>
    %min3A_58 = arith.constant 9999 : i32
    %min3A_59 = vector.broadcast %min3A_58 : i32 to vector<16xi32>
    %min3A_60 = arith.minsi %add3A_57, %min3A_59 : vector<16xi32>
    %mul3A_61 = arith.constant 3 : i32
    %mul3A_62 = vector.broadcast %mul3A_61 : i32 to vector<16xi32>
    %mul3A_63 = arith.muli %min3A_60, %mul3A_62 : vector<16xi32>
    %add3A_64 = arith.constant 0 : i32
    %add3A_65 = vector.broadcast %add3A_64 : i32 to vector<16xi32>
    %add3A_66 = arith.addi %mul3A_63, %add3A_65 : vector<16xi32>
    %gather3A_67 = tpu.vector_load_idx %arg6[%add3A_66] : memref<30000xf32, #tpu.memory_space<vmem>>[vector<16xi32>], vector<16xf32>,
    %swap3A_68 = arith.constant 16 : index
    %swap3A_69 = tpu.vector_load %arg11[%swap3A_68] {strides = array<i32>} : memref<960xf32, #tpu.memory_space<vmem>>, vector<16xf32>,
    tpu.vector_store %arg11[%swap3A_68], %gather3A_67 {strides = array<i32>} : memref<960xf32, #tpu.memory_space<vmem>>, vector<16xf32>,
    %add3A_70 = arith.constant 1 : i32
    %add3A_71 = vector.broadcast %add3A_70 : i32 to vector<16xi32>
    %add3A_72 = arith.addi %mul3A_63, %add3A_71 : vector<16xi32>
    %gather3A_73 = tpu.vector_load_idx %arg6[%add3A_72] : memref<30000xf32, #tpu.memory_space<vmem>>[vector<16xi32>], vector<16xf32>,
    %swap3A_74 = arith.constant 336 : index
    %swap3A_75 = tpu.vector_load %arg11[%swap3A_74] {strides = array<i32>} : memref<960xf32, #tpu.memory_space<vmem>>, vector<16xf32>,
    tpu.vector_store %arg11[%swap3A_74], %gather3A_73 {strides = array<i32>} : memref<960xf32, #tpu.memory_space<vmem>>, vector<16xf32>,
    %add3A_76 = arith.constant 2 : i32
    %add3A_77 = vector.broadcast %add3A_76 : i32 to vector<16xi32>
    %add3A_78 = arith.addi %mul3A_63, %add3A_77 : vector<16xi32>
    %gather3A_79 = tpu.vector_load_idx %arg6[%add3A_78] : memref<30000xf32, #tpu.memory_space<vmem>>[vector<16xi32>], vector<16xf32>,
    %swap3A_80 = arith.constant 656 : index
    %swap3A_81 = tpu.vector_load %arg11[%swap3A_80] {strides = array<i32>} : memref<960xf32, #tpu.memory_space<vmem>>, vector<16xf32>,
    tpu.vector_store %arg11[%swap3A_80], %gather3A_79 {strides = array<i32>} : memref<960xf32, #tpu.memory_space<vmem>>, vector<16xf32>,
    %add3A_82 = arith.constant 32 : i32
    %add3A_83 = arith.addi %mul3A_26, %add3A_82 : i32
    %add3A_84 = vector.broadcast %add3A_83 : i32 to vector<16xi32>
    %add3A_85 = arith.addi %add3A_84, %iota3A : vector<16xi32>
    %min3A_86 = arith.constant 9999 : i32
    %min3A_87 = vector.broadcast %min3A_86 : i32 to vector<16xi32>
    %min3A_88 = arith.minsi %add3A_85, %min3A_87 : vector<16xi32>
    %mul3A_89 = arith.constant 3 : i32
    %mul3A_90 = vector.broadcast %mul3A_89 : i32 to vector<16xi32>
    %mul3A_91 = arith.muli %min3A_88, %mul3A_90 : vector<16xi32>
    %add3A_92 = arith.constant 0 : i32
    %add3A_93 = vector.broadcast %add3A_92 : i32 to vector<16xi32>
    %add3A_94 = arith.addi %mul3A_91, %add3A_93 : vector<16xi32>
    %gather3A_95 = tpu.vector_load_idx %arg6[%add3A_94] : memref<30000xf32, #tpu.memory_space<vmem>>[vector<16xi32>], vector<16xf32>,
    %swap3A_96 = arith.constant 32 : index
    %swap3A_97 = tpu.vector_load %arg11[%swap3A_96] {strides = array<i32>} : memref<960xf32, #tpu.memory_space<vmem>>, vector<16xf32>,
    tpu.vector_store %arg11[%swap3A_96], %gather3A_95 {strides = array<i32>} : memref<960xf32, #tpu.memory_space<vmem>>, vector<16xf32>,
    %add3A_98 = arith.constant 1 : i32
    %add3A_99 = vector.broadcast %add3A_98 : i32 to vector<16xi32>
    %add3A_100 = arith.addi %mul3A_91, %add3A_99 : vector<16xi32>
    %gather3A_101 = tpu.vector_load_idx %arg6[%add3A_100] : memref<30000xf32, #tpu.memory_space<vmem>>[vector<16xi32>], vector<16xf32>,
    %swap3A_102 = arith.constant 352 : index
    %swap3A_103 = tpu.vector_load %arg11[%swap3A_102] {strides = array<i32>} : memref<960xf32, #tpu.memory_space<vmem>>, vector<16xf32>,
    tpu.vector_store %arg11[%swap3A_102], %gather3A_101 {strides = array<i32>} : memref<960xf32, #tpu.memory_space<vmem>>, vector<16xf32>,
    %add3A_104 = arith.constant 2 : i32
    %add3A_105 = vector.broadcast %add3A_104 : i32 to vector<16xi32>
    %add3A_106 = arith.addi %mul3A_91, %add3A_105 : vector<16xi32>
    %gather3A_107 = tpu.vector_load_idx %arg6[%add3A_106] : memref<30000xf32, #tpu.memory_space<vmem>>[vector<16xi32>], vector<16xf32>,
    %swap3A_108 = arith.constant 672 : index
    %swap3A_109 = tpu.vector_load %arg11[%swap3A_108] {strides = array<i32>} : memref<960xf32, #tpu.memory_space<vmem>>, vector<16xf32>,
    tpu.vector_store %arg11[%swap3A_108], %gather3A_107 {strides = array<i32>} : memref<960xf32, #tpu.memory_space<vmem>>, vector<16xf32>,
    %add3A_110 = arith.constant 48 : i32
    %add3A_111 = arith.addi %mul3A_26, %add3A_110 : i32
    %add3A_112 = vector.broadcast %add3A_111 : i32 to vector<16xi32>
    %add3A_113 = arith.addi %add3A_112, %iota3A : vector<16xi32>
    %min3A_114 = arith.constant 9999 : i32
    %min3A_115 = vector.broadcast %min3A_114 : i32 to vector<16xi32>
    %min3A_116 = arith.minsi %add3A_113, %min3A_115 : vector<16xi32>
    %mul3A_117 = arith.constant 3 : i32
    %mul3A_118 = vector.broadcast %mul3A_117 : i32 to vector<16xi32>
    %mul3A_119 = arith.muli %min3A_116, %mul3A_118 : vector<16xi32>
    %add3A_120 = arith.constant 0 : i32
    %add3A_121 = vector.broadcast %add3A_120 : i32 to vector<16xi32>
    %add3A_122 = arith.addi %mul3A_119, %add3A_121 : vector<16xi32>
    %gather3A_123 = tpu.vector_load_idx %arg6[%add3A_122] : memref<30000xf32, #tpu.memory_space<vmem>>[vector<16xi32>], vector<16xf32>,
    %swap3A_124 = arith.constant 48 : index
    %swap3A_125 = tpu.vector_load %arg11[%swap3A_124] {strides = array<i32>} : memref<960xf32, #tpu.memory_space<vmem>>, vector<16xf32>,
    tpu.vector_store %arg11[%swap3A_124], %gather3A_123 {strides = array<i32>} : memref<960xf32, #tpu.memory_space<vmem>>, vector<16xf32>,
    %add3A_126 = arith.constant 1 : i32
    %add3A_127 = vector.broadcast %add3A_126 : i32 to vector<16xi32>
    %add3A_128 = arith.addi %mul3A_119, %add3A_127 : vector<16xi32>
    %gather3A_129 = tpu.vector_load_idx %arg6[%add3A_128] : memref<30000xf32, #tpu.memory_space<vmem>>[vector<16xi32>], vector<16xf32>,
    %swap3A_130 = arith.constant 368 : index
    %swap3A_131 = tpu.vector_load %arg11[%swap3A_130] {strides = array<i32>} : memref<960xf32, #tpu.memory_space<vmem>>, vector<16xf32>,
    tpu.vector_store %arg11[%swap3A_130], %gather3A_129 {strides = array<i32>} : memref<960xf32, #tpu.memory_space<vmem>>, vector<16xf32>,
    %add3A_132 = arith.constant 2 : i32
    %add3A_133 = vector.broadcast %add3A_132 : i32 to vector<16xi32>
    %add3A_134 = arith.addi %mul3A_119, %add3A_133 : vector<16xi32>
    %gather3A_135 = tpu.vector_load_idx %arg6[%add3A_134] : memref<30000xf32, #tpu.memory_space<vmem>>[vector<16xi32>], vector<16xf32>,
    %swap3A_136 = arith.constant 688 : index
    %swap3A_137 = tpu.vector_load %arg11[%swap3A_136] {strides = array<i32>} : memref<960xf32, #tpu.memory_space<vmem>>, vector<16xf32>,
    tpu.vector_store %arg11[%swap3A_136], %gather3A_135 {strides = array<i32>} : memref<960xf32, #tpu.memory_space<vmem>>, vector<16xf32>,
    %add3A_138 = arith.constant 64 : i32
    %add3A_139 = arith.addi %mul3A_26, %add3A_138 : i32
    %add3A_140 = vector.broadcast %add3A_139 : i32 to vector<16xi32>
    %add3A_141 = arith.addi %add3A_140, %iota3A : vector<16xi32>
    %min3A_142 = arith.constant 9999 : i32
    %min3A_143 = vector.broadcast %min3A_142 : i32 to vector<16xi32>
    %min3A_144 = arith.minsi %add3A_141, %min3A_143 : vector<16xi32>
    %mul3A_145 = arith.constant 3 : i32
    %mul3A_146 = vector.broadcast %mul3A_145 : i32 to vector<16xi32>
    %mul3A_147 = arith.muli %min3A_144, %mul3A_146 : vector<16xi32>
    %add3A_148 = arith.constant 0 : i32
    %add3A_149 = vector.broadcast %add3A_148 : i32 to vector<16xi32>
    %add3A_150 = arith.addi %mul3A_147, %add3A_149 : vector<16xi32>
    %gather3A_151 = tpu.vector_load_idx %arg6[%add3A_150] : memref<30000xf32, #tpu.memory_space<vmem>>[vector<16xi32>], vector<16xf32>,
    %swap3A_152 = arith.constant 64 : index
    %swap3A_153 = tpu.vector_load %arg11[%swap3A_152] {strides = array<i32>} : memref<960xf32, #tpu.memory_space<vmem>>, vector<16xf32>,
    tpu.vector_store %arg11[%swap3A_152], %gather3A_151 {strides = array<i32>} : memref<960xf32, #tpu.memory_space<vmem>>, vector<16xf32>,
    %add3A_154 = arith.constant 1 : i32
    %add3A_155 = vector.broadcast %add3A_154 : i32 to vector<16xi32>
    %add3A_156 = arith.addi %mul3A_147, %add3A_155 : vector<16xi32>
    %gather3A_157 = tpu.vector_load_idx %arg6[%add3A_156] : memref<30000xf32, #tpu.memory_space<vmem>>[vector<16xi32>], vector<16xf32>,
    %swap3A_158 = arith.constant 384 : index
    %swap3A_159 = tpu.vector_load %arg11[%swap3A_158] {strides = array<i32>} : memref<960xf32, #tpu.memory_space<vmem>>, vector<16xf32>,
    tpu.vector_store %arg11[%swap3A_158], %gather3A_157 {strides = array<i32>} : memref<960xf32, #tpu.memory_space<vmem>>, vector<16xf32>,
    %add3A_160 = arith.constant 2 : i32
    %add3A_161 = vector.broadcast %add3A_160 : i32 to vector<16xi32>
    %add3A_162 = arith.addi %mul3A_147, %add3A_161 : vector<16xi32>
    %gather3A_163 = tpu.vector_load_idx %arg6[%add3A_162] : memref<30000xf32, #tpu.memory_space<vmem>>[vector<16xi32>], vector<16xf32>,
    %swap3A_164 = arith.constant 704 : index
    %swap3A_165 = tpu.vector_load %arg11[%swap3A_164] {strides = array<i32>} : memref<960xf32, #tpu.memory_space<vmem>>, vector<16xf32>,
    tpu.vector_store %arg11[%swap3A_164], %gather3A_163 {strides = array<i32>} : memref<960xf32, #tpu.memory_space<vmem>>, vector<16xf32>,
    %add3A_166 = arith.constant 80 : i32
    %add3A_167 = arith.addi %mul3A_26, %add3A_166 : i32
    %add3A_168 = vector.broadcast %add3A_167 : i32 to vector<16xi32>
    %add3A_169 = arith.addi %add3A_168, %iota3A : vector<16xi32>
    %min3A_170 = arith.constant 9999 : i32
    %min3A_171 = vector.broadcast %min3A_170 : i32 to vector<16xi32>
    %min3A_172 = arith.minsi %add3A_169, %min3A_171 : vector<16xi32>
    %mul3A_173 = arith.constant 3 : i32
    %mul3A_174 = vector.broadcast %mul3A_173 : i32 to vector<16xi32>
    %mul3A_175 = arith.muli %min3A_172, %mul3A_174 : vector<16xi32>
    %add3A_176 = arith.constant 0 : i32
    %add3A_177 = vector.broadcast %add3A_176 : i32 to vector<16xi32>
    %add3A_178 = arith.addi %mul3A_175, %add3A_177 : vector<16xi32>
    %gather3A_179 = tpu.vector_load_idx %arg6[%add3A_178] : memref<30000xf32, #tpu.memory_space<vmem>>[vector<16xi32>], vector<16xf32>,
    %swap3A_180 = arith.constant 80 : index
    %swap3A_181 = tpu.vector_load %arg11[%swap3A_180] {strides = array<i32>} : memref<960xf32, #tpu.memory_space<vmem>>, vector<16xf32>,
    tpu.vector_store %arg11[%swap3A_180], %gather3A_179 {strides = array<i32>} : memref<960xf32, #tpu.memory_space<vmem>>, vector<16xf32>,
    %add3A_182 = arith.constant 1 : i32
    %add3A_183 = vector.broadcast %add3A_182 : i32 to vector<16xi32>
    %add3A_184 = arith.addi %mul3A_175, %add3A_183 : vector<16xi32>
    %gather3A_185 = tpu.vector_load_idx %arg6[%add3A_184] : memref<30000xf32, #tpu.memory_space<vmem>>[vector<16xi32>], vector<16xf32>,
    %swap3A_186 = arith.constant 400 : index
    %swap3A_187 = tpu.vector_load %arg11[%swap3A_186] {strides = array<i32>} : memref<960xf32, #tpu.memory_space<vmem>>, vector<16xf32>,
    tpu.vector_store %arg11[%swap3A_186], %gather3A_185 {strides = array<i32>} : memref<960xf32, #tpu.memory_space<vmem>>, vector<16xf32>,
    %add3A_188 = arith.constant 2 : i32
    %add3A_189 = vector.broadcast %add3A_188 : i32 to vector<16xi32>
    %add3A_190 = arith.addi %mul3A_175, %add3A_189 : vector<16xi32>
    %gather3A_191 = tpu.vector_load_idx %arg6[%add3A_190] : memref<30000xf32, #tpu.memory_space<vmem>>[vector<16xi32>], vector<16xf32>,
    %swap3A_192 = arith.constant 720 : index
    %swap3A_193 = tpu.vector_load %arg11[%swap3A_192] {strides = array<i32>} : memref<960xf32, #tpu.memory_space<vmem>>, vector<16xf32>,
    tpu.vector_store %arg11[%swap3A_192], %gather3A_191 {strides = array<i32>} : memref<960xf32, #tpu.memory_space<vmem>>, vector<16xf32>,
    %add3A_194 = arith.constant 96 : i32
    %add3A_195 = arith.addi %mul3A_26, %add3A_194 : i32
    %add3A_196 = vector.broadcast %add3A_195 : i32 to vector<16xi32>
    %add3A_197 = arith.addi %add3A_196, %iota3A : vector<16xi32>
    %min3A_198 = arith.constant 9999 : i32
    %min3A_199 = vector.broadcast %min3A_198 : i32 to vector<16xi32>
    %min3A_200 = arith.minsi %add3A_197, %min3A_199 : vector<16xi32>
    %mul3A_201 = arith.constant 3 : i32
    %mul3A_202 = vector.broadcast %mul3A_201 : i32 to vector<16xi32>
    %mul3A_203 = arith.muli %min3A_200, %mul3A_202 : vector<16xi32>
    %add3A_204 = arith.constant 0 : i32
    %add3A_205 = vector.broadcast %add3A_204 : i32 to vector<16xi32>
    %add3A_206 = arith.addi %mul3A_203, %add3A_205 : vector<16xi32>
    %gather3A_207 = tpu.vector_load_idx %arg6[%add3A_206] : memref<30000xf32, #tpu.memory_space<vmem>>[vector<16xi32>], vector<16xf32>,
    %swap3A_208 = arith.constant 96 : index
    %swap3A_209 = tpu.vector_load %arg11[%swap3A_208] {strides = array<i32>} : memref<960xf32, #tpu.memory_space<vmem>>, vector<16xf32>,
    tpu.vector_store %arg11[%swap3A_208], %gather3A_207 {strides = array<i32>} : memref<960xf32, #tpu.memory_space<vmem>>, vector<16xf32>,
    %add3A_210 = arith.constant 1 : i32
    %add3A_211 = vector.broadcast %add3A_210 : i32 to vector<16xi32>
    %add3A_212 = arith.addi %mul3A_203, %add3A_211 : vector<16xi32>
    %gather3A_213 = tpu.vector_load_idx %arg6[%add3A_212] : memref<30000xf32, #tpu.memory_space<vmem>>[vector<16xi32>], vector<16xf32>,
    %swap3A_214 = arith.constant 416 : index
    %swap3A_215 = tpu.vector_load %arg11[%swap3A_214] {strides = array<i32>} : memref<960xf32, #tpu.memory_space<vmem>>, vector<16xf32>,
    tpu.vector_store %arg11[%swap3A_214], %gather3A_213 {strides = array<i32>} : memref<960xf32, #tpu.memory_space<vmem>>, vector<16xf32>,
    %add3A_216 = arith.constant 2 : i32
    %add3A_217 = vector.broadcast %add3A_216 : i32 to vector<16xi32>
    %add3A_218 = arith.addi %mul3A_203, %add3A_217 : vector<16xi32>
    %gather3A_219 = tpu.vector_load_idx %arg6[%add3A_218] : memref<30000xf32, #tpu.memory_space<vmem>>[vector<16xi32>], vector<16xf32>,
    %swap3A_220 = arith.constant 736 : index
    %swap3A_221 = tpu.vector_load %arg11[%swap3A_220] {strides = array<i32>} : memref<960xf32, #tpu.memory_space<vmem>>, vector<16xf32>,
    tpu.vector_store %arg11[%swap3A_220], %gather3A_219 {strides = array<i32>} : memref<960xf32, #tpu.memory_space<vmem>>, vector<16xf32>,
    %add3A_222 = arith.constant 112 : i32
    %add3A_223 = arith.addi %mul3A_26, %add3A_222 : i32
    %add3A_224 = vector.broadcast %add3A_223 : i32 to vector<16xi32>
    %add3A_225 = arith.addi %add3A_224, %iota3A : vector<16xi32>
    %min3A_226 = arith.constant 9999 : i32
    %min3A_227 = vector.broadcast %min3A_226 : i32 to vector<16xi32>
    %min3A_228 = arith.minsi %add3A_225, %min3A_227 : vector<16xi32>
    %mul3A_229 = arith.constant 3 : i32
    %mul3A_230 = vector.broadcast %mul3A_229 : i32 to vector<16xi32>
    %mul3A_231 = arith.muli %min3A_228, %mul3A_230 : vector<16xi32>
    %add3A_232 = arith.constant 0 : i32
    %add3A_233 = vector.broadcast %add3A_232 : i32 to vector<16xi32>
    %add3A_234 = arith.addi %mul3A_231, %add3A_233 : vector<16xi32>
    %gather3A_235 = tpu.vector_load_idx %arg6[%add3A_234] : memref<30000xf32, #tpu.memory_space<vmem>>[vector<16xi32>], vector<16xf32>,
    %swap3A_236 = arith.constant 112 : index
    %swap3A_237 = tpu.vector_load %arg11[%swap3A_236] {strides = array<i32>} : memref<960xf32, #tpu.memory_space<vmem>>, vector<16xf32>,
    tpu.vector_store %arg11[%swap3A_236], %gather3A_235 {strides = array<i32>} : memref<960xf32, #tpu.memory_space<vmem>>, vector<16xf32>,
    %add3A_238 = arith.constant 1 : i32
    %add3A_239 = vector.broadcast %add3A_238 : i32 to vector<16xi32>
    %add3A_240 = arith.addi %mul3A_231, %add3A_239 : vector<16xi32>
    %gather3A_241 = tpu.vector_load_idx %arg6[%add3A_240] : memref<30000xf32, #tpu.memory_space<vmem>>[vector<16xi32>], vector<16xf32>,
    %swap3A_242 = arith.constant 432 : index
    %swap3A_243 = tpu.vector_load %arg11[%swap3A_242] {strides = array<i32>} : memref<960xf32, #tpu.memory_space<vmem>>, vector<16xf32>,
    tpu.vector_store %arg11[%swap3A_242], %gather3A_241 {strides = array<i32>} : memref<960xf32, #tpu.memory_space<vmem>>, vector<16xf32>,
    %add3A_244 = arith.constant 2 : i32
    %add3A_245 = vector.broadcast %add3A_244 : i32 to vector<16xi32>
    %add3A_246 = arith.addi %mul3A_231, %add3A_245 : vector<16xi32>
    %gather3A_247 = tpu.vector_load_idx %arg6[%add3A_246] : memref<30000xf32, #tpu.memory_space<vmem>>[vector<16xi32>], vector<16xf32>,
    %swap3A_248 = arith.constant 752 : index
    %swap3A_249 = tpu.vector_load %arg11[%swap3A_248] {strides = array<i32>} : memref<960xf32, #tpu.memory_space<vmem>>, vector<16xf32>,
    tpu.vector_store %arg11[%swap3A_248], %gather3A_247 {strides = array<i32>} : memref<960xf32, #tpu.memory_space<vmem>>, vector<16xf32>,
    %add3A_250 = arith.constant 128 : i32
    %add3A_251 = arith.addi %mul3A_26, %add3A_250 : i32
    %add3A_252 = vector.broadcast %add3A_251 : i32 to vector<16xi32>
    %add3A_253 = arith.addi %add3A_252, %iota3A : vector<16xi32>
    %min3A_254 = arith.constant 9999 : i32
    %min3A_255 = vector.broadcast %min3A_254 : i32 to vector<16xi32>
    %min3A_256 = arith.minsi %add3A_253, %min3A_255 : vector<16xi32>
    %mul3A_257 = arith.constant 3 : i32
    %mul3A_258 = vector.broadcast %mul3A_257 : i32 to vector<16xi32>
    %mul3A_259 = arith.muli %min3A_256, %mul3A_258 : vector<16xi32>
    %add3A_260 = arith.constant 0 : i32
    %add3A_261 = vector.broadcast %add3A_260 : i32 to vector<16xi32>
    %add3A_262 = arith.addi %mul3A_259, %add3A_261 : vector<16xi32>
    %gather3A_263 = tpu.vector_load_idx %arg6[%add3A_262] : memref<30000xf32, #tpu.memory_space<vmem>>[vector<16xi32>], vector<16xf32>,
    %swap3A_264 = arith.constant 128 : index
    %swap3A_265 = tpu.vector_load %arg11[%swap3A_264] {strides = array<i32>} : memref<960xf32, #tpu.memory_space<vmem>>, vector<16xf32>,
    tpu.vector_store %arg11[%swap3A_264], %gather3A_263 {strides = array<i32>} : memref<960xf32, #tpu.memory_space<vmem>>, vector<16xf32>,
    %add3A_266 = arith.constant 1 : i32
    %add3A_267 = vector.broadcast %add3A_266 : i32 to vector<16xi32>
    %add3A_268 = arith.addi %mul3A_259, %add3A_267 : vector<16xi32>
    %gather3A_269 = tpu.vector_load_idx %arg6[%add3A_268] : memref<30000xf32, #tpu.memory_space<vmem>>[vector<16xi32>], vector<16xf32>,
    %swap3A_270 = arith.constant 448 : index
    %swap3A_271 = tpu.vector_load %arg11[%swap3A_270] {strides = array<i32>} : memref<960xf32, #tpu.memory_space<vmem>>, vector<16xf32>,
    tpu.vector_store %arg11[%swap3A_270], %gather3A_269 {strides = array<i32>} : memref<960xf32, #tpu.memory_space<vmem>>, vector<16xf32>,
    %add3A_272 = arith.constant 2 : i32
    %add3A_273 = vector.broadcast %add3A_272 : i32 to vector<16xi32>
    %add3A_274 = arith.addi %mul3A_259, %add3A_273 : vector<16xi32>
    %gather3A_275 = tpu.vector_load_idx %arg6[%add3A_274] : memref<30000xf32, #tpu.memory_space<vmem>>[vector<16xi32>], vector<16xf32>,
    %swap3A_276 = arith.constant 768 : index
    %swap3A_277 = tpu.vector_load %arg11[%swap3A_276] {strides = array<i32>} : memref<960xf32, #tpu.memory_space<vmem>>, vector<16xf32>,
    tpu.vector_store %arg11[%swap3A_276], %gather3A_275 {strides = array<i32>} : memref<960xf32, #tpu.memory_space<vmem>>, vector<16xf32>,
    %add3A_278 = arith.constant 144 : i32
    %add3A_279 = arith.addi %mul3A_26, %add3A_278 : i32
    %add3A_280 = vector.broadcast %add3A_279 : i32 to vector<16xi32>
    %add3A_281 = arith.addi %add3A_280, %iota3A : vector<16xi32>
    %min3A_282 = arith.constant 9999 : i32
    %min3A_283 = vector.broadcast %min3A_282 : i32 to vector<16xi32>
    %min3A_284 = arith.minsi %add3A_281, %min3A_283 : vector<16xi32>
    %mul3A_285 = arith.constant 3 : i32
    %mul3A_286 = vector.broadcast %mul3A_285 : i32 to vector<16xi32>
    %mul3A_287 = arith.muli %min3A_284, %mul3A_286 : vector<16xi32>
    %add3A_288 = arith.constant 0 : i32
    %add3A_289 = vector.broadcast %add3A_288 : i32 to vector<16xi32>
    %add3A_290 = arith.addi %mul3A_287, %add3A_289 : vector<16xi32>
    %gather3A_291 = tpu.vector_load_idx %arg6[%add3A_290] : memref<30000xf32, #tpu.memory_space<vmem>>[vector<16xi32>], vector<16xf32>,
    %swap3A_292 = arith.constant 144 : index
    %swap3A_293 = tpu.vector_load %arg11[%swap3A_292] {strides = array<i32>} : memref<960xf32, #tpu.memory_space<vmem>>, vector<16xf32>,
    tpu.vector_store %arg11[%swap3A_292], %gather3A_291 {strides = array<i32>} : memref<960xf32, #tpu.memory_space<vmem>>, vector<16xf32>,
    %add3A_294 = arith.constant 1 : i32
    %add3A_295 = vector.broadcast %add3A_294 : i32 to vector<16xi32>
    %add3A_296 = arith.addi %mul3A_287, %add3A_295 : vector<16xi32>
    %gather3A_297 = tpu.vector_load_idx %arg6[%add3A_296] : memref<30000xf32, #tpu.memory_space<vmem>>[vector<16xi32>], vector<16xf32>,
    %swap3A_298 = arith.constant 464 : index
    %swap3A_299 = tpu.vector_load %arg11[%swap3A_298] {strides = array<i32>} : memref<960xf32, #tpu.memory_space<vmem>>, vector<16xf32>,
    tpu.vector_store %arg11[%swap3A_298], %gather3A_297 {strides = array<i32>} : memref<960xf32, #tpu.memory_space<vmem>>, vector<16xf32>,
    %add3A_300 = arith.constant 2 : i32
    %add3A_301 = vector.broadcast %add3A_300 : i32 to vector<16xi32>
    %add3A_302 = arith.addi %mul3A_287, %add3A_301 : vector<16xi32>
    %gather3A_303 = tpu.vector_load_idx %arg6[%add3A_302] : memref<30000xf32, #tpu.memory_space<vmem>>[vector<16xi32>], vector<16xf32>,
    %swap3A_304 = arith.constant 784 : index
    %swap3A_305 = tpu.vector_load %arg11[%swap3A_304] {strides = array<i32>} : memref<960xf32, #tpu.memory_space<vmem>>, vector<16xf32>,
    tpu.vector_store %arg11[%swap3A_304], %gather3A_303 {strides = array<i32>} : memref<960xf32, #tpu.memory_space<vmem>>, vector<16xf32>,
    %add3A_306 = arith.constant 160 : i32
    %add3A_307 = arith.addi %mul3A_26, %add3A_306 : i32
    %add3A_308 = vector.broadcast %add3A_307 : i32 to vector<16xi32>
    %add3A_309 = arith.addi %add3A_308, %iota3A : vector<16xi32>
    %min3A_310 = arith.constant 9999 : i32
    %min3A_311 = vector.broadcast %min3A_310 : i32 to vector<16xi32>
    %min3A_312 = arith.minsi %add3A_309, %min3A_311 : vector<16xi32>
    %mul3A_313 = arith.constant 3 : i32
    %mul3A_314 = vector.broadcast %mul3A_313 : i32 to vector<16xi32>
    %mul3A_315 = arith.muli %min3A_312, %mul3A_314 : vector<16xi32>
    %add3A_316 = arith.constant 0 : i32
    %add3A_317 = vector.broadcast %add3A_316 : i32 to vector<16xi32>
    %add3A_318 = arith.addi %mul3A_315, %add3A_317 : vector<16xi32>
    %gather3A_319 = tpu.vector_load_idx %arg6[%add3A_318] : memref<30000xf32, #tpu.memory_space<vmem>>[vector<16xi32>], vector<16xf32>,
    %swap3A_320 = arith.constant 160 : index
    %swap3A_321 = tpu.vector_load %arg11[%swap3A_320] {strides = array<i32>} : memref<960xf32, #tpu.memory_space<vmem>>, vector<16xf32>,
    tpu.vector_store %arg11[%swap3A_320], %gather3A_319 {strides = array<i32>} : memref<960xf32, #tpu.memory_space<vmem>>, vector<16xf32>,
    %add3A_322 = arith.constant 1 : i32
    %add3A_323 = vector.broadcast %add3A_322 : i32 to vector<16xi32>
    %add3A_324 = arith.addi %mul3A_315, %add3A_323 : vector<16xi32>
    %gather3A_325 = tpu.vector_load_idx %arg6[%add3A_324] : memref<30000xf32, #tpu.memory_space<vmem>>[vector<16xi32>], vector<16xf32>,
    %swap3A_326 = arith.constant 480 : index
    %swap3A_327 = tpu.vector_load %arg11[%swap3A_326] {strides = array<i32>} : memref<960xf32, #tpu.memory_space<vmem>>, vector<16xf32>,
    tpu.vector_store %arg11[%swap3A_326], %gather3A_325 {strides = array<i32>} : memref<960xf32, #tpu.memory_space<vmem>>, vector<16xf32>,
    %add3A_328 = arith.constant 2 : i32
    %add3A_329 = vector.broadcast %add3A_328 : i32 to vector<16xi32>
    %add3A_330 = arith.addi %mul3A_315, %add3A_329 : vector<16xi32>
    %gather3A_331 = tpu.vector_load_idx %arg6[%add3A_330] : memref<30000xf32, #tpu.memory_space<vmem>>[vector<16xi32>], vector<16xf32>,
    %swap3A_332 = arith.constant 800 : index
    %swap3A_333 = tpu.vector_load %arg11[%swap3A_332] {strides = array<i32>} : memref<960xf32, #tpu.memory_space<vmem>>, vector<16xf32>,
    tpu.vector_store %arg11[%swap3A_332], %gather3A_331 {strides = array<i32>} : memref<960xf32, #tpu.memory_space<vmem>>, vector<16xf32>,
    %add3A_334 = arith.constant 176 : i32
    %add3A_335 = arith.addi %mul3A_26, %add3A_334 : i32
    %add3A_336 = vector.broadcast %add3A_335 : i32 to vector<16xi32>
    %add3A_337 = arith.addi %add3A_336, %iota3A : vector<16xi32>
    %min3A_338 = arith.constant 9999 : i32
    %min3A_339 = vector.broadcast %min3A_338 : i32 to vector<16xi32>
    %min3A_340 = arith.minsi %add3A_337, %min3A_339 : vector<16xi32>
    %mul3A_341 = arith.constant 3 : i32
    %mul3A_342 = vector.broadcast %mul3A_341 : i32 to vector<16xi32>
    %mul3A_343 = arith.muli %min3A_340, %mul3A_342 : vector<16xi32>
    %add3A_344 = arith.constant 0 : i32
    %add3A_345 = vector.broadcast %add3A_344 : i32 to vector<16xi32>
    %add3A_346 = arith.addi %mul3A_343, %add3A_345 : vector<16xi32>
    %gather3A_347 = tpu.vector_load_idx %arg6[%add3A_346] : memref<30000xf32, #tpu.memory_space<vmem>>[vector<16xi32>], vector<16xf32>,
    %swap3A_348 = arith.constant 176 : index
    %swap3A_349 = tpu.vector_load %arg11[%swap3A_348] {strides = array<i32>} : memref<960xf32, #tpu.memory_space<vmem>>, vector<16xf32>,
    tpu.vector_store %arg11[%swap3A_348], %gather3A_347 {strides = array<i32>} : memref<960xf32, #tpu.memory_space<vmem>>, vector<16xf32>,
    %add3A_350 = arith.constant 1 : i32
    %add3A_351 = vector.broadcast %add3A_350 : i32 to vector<16xi32>
    %add3A_352 = arith.addi %mul3A_343, %add3A_351 : vector<16xi32>
    %gather3A_353 = tpu.vector_load_idx %arg6[%add3A_352] : memref<30000xf32, #tpu.memory_space<vmem>>[vector<16xi32>], vector<16xf32>,
    %swap3A_354 = arith.constant 496 : index
    %swap3A_355 = tpu.vector_load %arg11[%swap3A_354] {strides = array<i32>} : memref<960xf32, #tpu.memory_space<vmem>>, vector<16xf32>,
    tpu.vector_store %arg11[%swap3A_354], %gather3A_353 {strides = array<i32>} : memref<960xf32, #tpu.memory_space<vmem>>, vector<16xf32>,
    %add3A_356 = arith.constant 2 : i32
    %add3A_357 = vector.broadcast %add3A_356 : i32 to vector<16xi32>
    %add3A_358 = arith.addi %mul3A_343, %add3A_357 : vector<16xi32>
    %gather3A_359 = tpu.vector_load_idx %arg6[%add3A_358] : memref<30000xf32, #tpu.memory_space<vmem>>[vector<16xi32>], vector<16xf32>,
    %swap3A_360 = arith.constant 816 : index
    %swap3A_361 = tpu.vector_load %arg11[%swap3A_360] {strides = array<i32>} : memref<960xf32, #tpu.memory_space<vmem>>, vector<16xf32>,
    tpu.vector_store %arg11[%swap3A_360], %gather3A_359 {strides = array<i32>} : memref<960xf32, #tpu.memory_space<vmem>>, vector<16xf32>,
    %add3A_362 = arith.constant 192 : i32
    %add3A_363 = arith.addi %mul3A_26, %add3A_362 : i32
    %add3A_364 = vector.broadcast %add3A_363 : i32 to vector<16xi32>
    %add3A_365 = arith.addi %add3A_364, %iota3A : vector<16xi32>
    %min3A_366 = arith.constant 9999 : i32
    %min3A_367 = vector.broadcast %min3A_366 : i32 to vector<16xi32>
    %min3A_368 = arith.minsi %add3A_365, %min3A_367 : vector<16xi32>
    %mul3A_369 = arith.constant 3 : i32
    %mul3A_370 = vector.broadcast %mul3A_369 : i32 to vector<16xi32>
    %mul3A_371 = arith.muli %min3A_368, %mul3A_370 : vector<16xi32>
    %add3A_372 = arith.constant 0 : i32
    %add3A_373 = vector.broadcast %add3A_372 : i32 to vector<16xi32>
    %add3A_374 = arith.addi %mul3A_371, %add3A_373 : vector<16xi32>
    %gather3A_375 = tpu.vector_load_idx %arg6[%add3A_374] : memref<30000xf32, #tpu.memory_space<vmem>>[vector<16xi32>], vector<16xf32>,
    %swap3A_376 = arith.constant 192 : index
    %swap3A_377 = tpu.vector_load %arg11[%swap3A_376] {strides = array<i32>} : memref<960xf32, #tpu.memory_space<vmem>>, vector<16xf32>,
    tpu.vector_store %arg11[%swap3A_376], %gather3A_375 {strides = array<i32>} : memref<960xf32, #tpu.memory_space<vmem>>, vector<16xf32>,
    %add3A_378 = arith.constant 1 : i32
    %add3A_379 = vector.broadcast %add3A_378 : i32 to vector<16xi32>
    %add3A_380 = arith.addi %mul3A_371, %add3A_379 : vector<16xi32>
    %gather3A_381 = tpu.vector_load_idx %arg6[%add3A_380] : memref<30000xf32, #tpu.memory_space<vmem>>[vector<16xi32>], vector<16xf32>,
    %swap3A_382 = arith.constant 512 : index
    %swap3A_383 = tpu.vector_load %arg11[%swap3A_382] {strides = array<i32>} : memref<960xf32, #tpu.memory_space<vmem>>, vector<16xf32>,
    tpu.vector_store %arg11[%swap3A_382], %gather3A_381 {strides = array<i32>} : memref<960xf32, #tpu.memory_space<vmem>>, vector<16xf32>,
    %add3A_384 = arith.constant 2 : i32
    %add3A_385 = vector.broadcast %add3A_384 : i32 to vector<16xi32>
    %add3A_386 = arith.addi %mul3A_371, %add3A_385 : vector<16xi32>
    %gather3A_387 = tpu.vector_load_idx %arg6[%add3A_386] : memref<30000xf32, #tpu.memory_space<vmem>>[vector<16xi32>], vector<16xf32>,
    %swap3A_388 = arith.constant 832 : index
    %swap3A_389 = tpu.vector_load %arg11[%swap3A_388] {strides = array<i32>} : memref<960xf32, #tpu.memory_space<vmem>>, vector<16xf32>,
    tpu.vector_store %arg11[%swap3A_388], %gather3A_387 {strides = array<i32>} : memref<960xf32, #tpu.memory_space<vmem>>, vector<16xf32>,
    %add3A_390 = arith.constant 208 : i32
    %add3A_391 = arith.addi %mul3A_26, %add3A_390 : i32
    %add3A_392 = vector.broadcast %add3A_391 : i32 to vector<16xi32>
    %add3A_393 = arith.addi %add3A_392, %iota3A : vector<16xi32>
    %min3A_394 = arith.constant 9999 : i32
    %min3A_395 = vector.broadcast %min3A_394 : i32 to vector<16xi32>
    %min3A_396 = arith.minsi %add3A_393, %min3A_395 : vector<16xi32>
    %mul3A_397 = arith.constant 3 : i32
    %mul3A_398 = vector.broadcast %mul3A_397 : i32 to vector<16xi32>
    %mul3A_399 = arith.muli %min3A_396, %mul3A_398 : vector<16xi32>
    %add3A_400 = arith.constant 0 : i32
    %add3A_401 = vector.broadcast %add3A_400 : i32 to vector<16xi32>
    %add3A_402 = arith.addi %mul3A_399, %add3A_401 : vector<16xi32>
    %gather3A_403 = tpu.vector_load_idx %arg6[%add3A_402] : memref<30000xf32, #tpu.memory_space<vmem>>[vector<16xi32>], vector<16xf32>,
    %swap3A_404 = arith.constant 208 : index
    %swap3A_405 = tpu.vector_load %arg11[%swap3A_404] {strides = array<i32>} : memref<960xf32, #tpu.memory_space<vmem>>, vector<16xf32>,
    tpu.vector_store %arg11[%swap3A_404], %gather3A_403 {strides = array<i32>} : memref<960xf32, #tpu.memory_space<vmem>>, vector<16xf32>,
    %add3A_406 = arith.constant 1 : i32
    %add3A_407 = vector.broadcast %add3A_406 : i32 to vector<16xi32>
    %add3A_408 = arith.addi %mul3A_399, %add3A_407 : vector<16xi32>
    %gather3A_409 = tpu.vector_load_idx %arg6[%add3A_408] : memref<30000xf32, #tpu.memory_space<vmem>>[vector<16xi32>], vector<16xf32>,
    %swap3A_410 = arith.constant 528 : index
    %swap3A_411 = tpu.vector_load %arg11[%swap3A_410] {strides = array<i32>} : memref<960xf32, #tpu.memory_space<vmem>>, vector<16xf32>,
    tpu.vector_store %arg11[%swap3A_410], %gather3A_409 {strides = array<i32>} : memref<960xf32, #tpu.memory_space<vmem>>, vector<16xf32>,
    %add3A_412 = arith.constant 2 : i32
    %add3A_413 = vector.broadcast %add3A_412 : i32 to vector<16xi32>
    %add3A_414 = arith.addi %mul3A_399, %add3A_413 : vector<16xi32>
    %gather3A_415 = tpu.vector_load_idx %arg6[%add3A_414] : memref<30000xf32, #tpu.memory_space<vmem>>[vector<16xi32>], vector<16xf32>,
    %swap3A_416 = arith.constant 848 : index
    %swap3A_417 = tpu.vector_load %arg11[%swap3A_416] {strides = array<i32>} : memref<960xf32, #tpu.memory_space<vmem>>, vector<16xf32>,
    tpu.vector_store %arg11[%swap3A_416], %gather3A_415 {strides = array<i32>} : memref<960xf32, #tpu.memory_space<vmem>>, vector<16xf32>,
    %add3A_418 = arith.constant 224 : i32
    %add3A_419 = arith.addi %mul3A_26, %add3A_418 : i32
    %add3A_420 = vector.broadcast %add3A_419 : i32 to vector<16xi32>
    %add3A_421 = arith.addi %add3A_420, %iota3A : vector<16xi32>
    %min3A_422 = arith.constant 9999 : i32
    %min3A_423 = vector.broadcast %min3A_422 : i32 to vector<16xi32>
    %min3A_424 = arith.minsi %add3A_421, %min3A_423 : vector<16xi32>
    %mul3A_425 = arith.constant 3 : i32
    %mul3A_426 = vector.broadcast %mul3A_425 : i32 to vector<16xi32>
    %mul3A_427 = arith.muli %min3A_424, %mul3A_426 : vector<16xi32>
    %add3A_428 = arith.constant 0 : i32
    %add3A_429 = vector.broadcast %add3A_428 : i32 to vector<16xi32>
    %add3A_430 = arith.addi %mul3A_427, %add3A_429 : vector<16xi32>
    %gather3A_431 = tpu.vector_load_idx %arg6[%add3A_430] : memref<30000xf32, #tpu.memory_space<vmem>>[vector<16xi32>], vector<16xf32>,
    %swap3A_432 = arith.constant 224 : index
    %swap3A_433 = tpu.vector_load %arg11[%swap3A_432] {strides = array<i32>} : memref<960xf32, #tpu.memory_space<vmem>>, vector<16xf32>,
    tpu.vector_store %arg11[%swap3A_432], %gather3A_431 {strides = array<i32>} : memref<960xf32, #tpu.memory_space<vmem>>, vector<16xf32>,
    %add3A_434 = arith.constant 1 : i32
    %add3A_435 = vector.broadcast %add3A_434 : i32 to vector<16xi32>
    %add3A_436 = arith.addi %mul3A_427, %add3A_435 : vector<16xi32>
    %gather3A_437 = tpu.vector_load_idx %arg6[%add3A_436] : memref<30000xf32, #tpu.memory_space<vmem>>[vector<16xi32>], vector<16xf32>,
    %swap3A_438 = arith.constant 544 : index
    %swap3A_439 = tpu.vector_load %arg11[%swap3A_438] {strides = array<i32>} : memref<960xf32, #tpu.memory_space<vmem>>, vector<16xf32>,
    tpu.vector_store %arg11[%swap3A_438], %gather3A_437 {strides = array<i32>} : memref<960xf32, #tpu.memory_space<vmem>>, vector<16xf32>,
    %add3A_440 = arith.constant 2 : i32
    %add3A_441 = vector.broadcast %add3A_440 : i32 to vector<16xi32>
    %add3A_442 = arith.addi %mul3A_427, %add3A_441 : vector<16xi32>
    %gather3A_443 = tpu.vector_load_idx %arg6[%add3A_442] : memref<30000xf32, #tpu.memory_space<vmem>>[vector<16xi32>], vector<16xf32>,
    %swap3A_444 = arith.constant 864 : index
    %swap3A_445 = tpu.vector_load %arg11[%swap3A_444] {strides = array<i32>} : memref<960xf32, #tpu.memory_space<vmem>>, vector<16xf32>,
    tpu.vector_store %arg11[%swap3A_444], %gather3A_443 {strides = array<i32>} : memref<960xf32, #tpu.memory_space<vmem>>, vector<16xf32>,
    %add3A_446 = arith.constant 240 : i32
    %add3A_447 = arith.addi %mul3A_26, %add3A_446 : i32
    %add3A_448 = vector.broadcast %add3A_447 : i32 to vector<16xi32>
    %add3A_449 = arith.addi %add3A_448, %iota3A : vector<16xi32>
    %min3A_450 = arith.constant 9999 : i32
    %min3A_451 = vector.broadcast %min3A_450 : i32 to vector<16xi32>
    %min3A_452 = arith.minsi %add3A_449, %min3A_451 : vector<16xi32>
    %mul3A_453 = arith.constant 3 : i32
    %mul3A_454 = vector.broadcast %mul3A_453 : i32 to vector<16xi32>
    %mul3A_455 = arith.muli %min3A_452, %mul3A_454 : vector<16xi32>
    %add3A_456 = arith.constant 0 : i32
    %add3A_457 = vector.broadcast %add3A_456 : i32 to vector<16xi32>
    %add3A_458 = arith.addi %mul3A_455, %add3A_457 : vector<16xi32>
    %gather3A_459 = tpu.vector_load_idx %arg6[%add3A_458] : memref<30000xf32, #tpu.memory_space<vmem>>[vector<16xi32>], vector<16xf32>,
    %swap3A_460 = arith.constant 240 : index
    %swap3A_461 = tpu.vector_load %arg11[%swap3A_460] {strides = array<i32>} : memref<960xf32, #tpu.memory_space<vmem>>, vector<16xf32>,
    tpu.vector_store %arg11[%swap3A_460], %gather3A_459 {strides = array<i32>} : memref<960xf32, #tpu.memory_space<vmem>>, vector<16xf32>,
    %add3A_462 = arith.constant 1 : i32
    %add3A_463 = vector.broadcast %add3A_462 : i32 to vector<16xi32>
    %add3A_464 = arith.addi %mul3A_455, %add3A_463 : vector<16xi32>
    %gather3A_465 = tpu.vector_load_idx %arg6[%add3A_464] : memref<30000xf32, #tpu.memory_space<vmem>>[vector<16xi32>], vector<16xf32>,
    %swap3A_466 = arith.constant 560 : index
    %swap3A_467 = tpu.vector_load %arg11[%swap3A_466] {strides = array<i32>} : memref<960xf32, #tpu.memory_space<vmem>>, vector<16xf32>,
    tpu.vector_store %arg11[%swap3A_466], %gather3A_465 {strides = array<i32>} : memref<960xf32, #tpu.memory_space<vmem>>, vector<16xf32>,
    %add3A_468 = arith.constant 2 : i32
    %add3A_469 = vector.broadcast %add3A_468 : i32 to vector<16xi32>
    %add3A_470 = arith.addi %mul3A_455, %add3A_469 : vector<16xi32>
    %gather3A_471 = tpu.vector_load_idx %arg6[%add3A_470] : memref<30000xf32, #tpu.memory_space<vmem>>[vector<16xi32>], vector<16xf32>,
    %swap3A_472 = arith.constant 880 : index
    %swap3A_473 = tpu.vector_load %arg11[%swap3A_472] {strides = array<i32>} : memref<960xf32, #tpu.memory_space<vmem>>, vector<16xf32>,
    tpu.vector_store %arg11[%swap3A_472], %gather3A_471 {strides = array<i32>} : memref<960xf32, #tpu.memory_space<vmem>>, vector<16xf32>,
    %add3A_474 = arith.constant 256 : i32
    %add3A_475 = arith.addi %mul3A_26, %add3A_474 : i32
    %add3A_476 = vector.broadcast %add3A_475 : i32 to vector<16xi32>
    %add3A_477 = arith.addi %add3A_476, %iota3A : vector<16xi32>
    %min3A_478 = arith.constant 9999 : i32
    %min3A_479 = vector.broadcast %min3A_478 : i32 to vector<16xi32>
    %min3A_480 = arith.minsi %add3A_477, %min3A_479 : vector<16xi32>
    %mul3A_481 = arith.constant 3 : i32
    %mul3A_482 = vector.broadcast %mul3A_481 : i32 to vector<16xi32>
    %mul3A_483 = arith.muli %min3A_480, %mul3A_482 : vector<16xi32>
    %add3A_484 = arith.constant 0 : i32
    %add3A_485 = vector.broadcast %add3A_484 : i32 to vector<16xi32>
    %add3A_486 = arith.addi %mul3A_483, %add3A_485 : vector<16xi32>
    %gather3A_487 = tpu.vector_load_idx %arg6[%add3A_486] : memref<30000xf32, #tpu.memory_space<vmem>>[vector<16xi32>], vector<16xf32>,
    %swap3A_488 = arith.constant 256 : index
    %swap3A_489 = tpu.vector_load %arg11[%swap3A_488] {strides = array<i32>} : memref<960xf32, #tpu.memory_space<vmem>>, vector<16xf32>,
    tpu.vector_store %arg11[%swap3A_488], %gather3A_487 {strides = array<i32>} : memref<960xf32, #tpu.memory_space<vmem>>, vector<16xf32>,
    %add3A_490 = arith.constant 1 : i32
    %add3A_491 = vector.broadcast %add3A_490 : i32 to vector<16xi32>
    %add3A_492 = arith.addi %mul3A_483, %add3A_491 : vector<16xi32>
    %gather3A_493 = tpu.vector_load_idx %arg6[%add3A_492] : memref<30000xf32, #tpu.memory_space<vmem>>[vector<16xi32>], vector<16xf32>,
    %swap3A_494 = arith.constant 576 : index
    %swap3A_495 = tpu.vector_load %arg11[%swap3A_494] {strides = array<i32>} : memref<960xf32, #tpu.memory_space<vmem>>, vector<16xf32>,
    tpu.vector_store %arg11[%swap3A_494], %gather3A_493 {strides = array<i32>} : memref<960xf32, #tpu.memory_space<vmem>>, vector<16xf32>,
    %add3A_496 = arith.constant 2 : i32
    %add3A_497 = vector.broadcast %add3A_496 : i32 to vector<16xi32>
    %add3A_498 = arith.addi %mul3A_483, %add3A_497 : vector<16xi32>
    %gather3A_499 = tpu.vector_load_idx %arg6[%add3A_498] : memref<30000xf32, #tpu.memory_space<vmem>>[vector<16xi32>], vector<16xf32>,
    %swap3A_500 = arith.constant 896 : index
    %swap3A_501 = tpu.vector_load %arg11[%swap3A_500] {strides = array<i32>} : memref<960xf32, #tpu.memory_space<vmem>>, vector<16xf32>,
    tpu.vector_store %arg11[%swap3A_500], %gather3A_499 {strides = array<i32>} : memref<960xf32, #tpu.memory_space<vmem>>, vector<16xf32>,
    %add3A_502 = arith.constant 272 : i32
    %add3A_503 = arith.addi %mul3A_26, %add3A_502 : i32
    %add3A_504 = vector.broadcast %add3A_503 : i32 to vector<16xi32>
    %add3A_505 = arith.addi %add3A_504, %iota3A : vector<16xi32>
    %min3A_506 = arith.constant 9999 : i32
    %min3A_507 = vector.broadcast %min3A_506 : i32 to vector<16xi32>
    %min3A_508 = arith.minsi %add3A_505, %min3A_507 : vector<16xi32>
    %mul3A_509 = arith.constant 3 : i32
    %mul3A_510 = vector.broadcast %mul3A_509 : i32 to vector<16xi32>
    %mul3A_511 = arith.muli %min3A_508, %mul3A_510 : vector<16xi32>
    %add3A_512 = arith.constant 0 : i32
    %add3A_513 = vector.broadcast %add3A_512 : i32 to vector<16xi32>
    %add3A_514 = arith.addi %mul3A_511, %add3A_513 : vector<16xi32>
    %gather3A_515 = tpu.vector_load_idx %arg6[%add3A_514] : memref<30000xf32, #tpu.memory_space<vmem>>[vector<16xi32>], vector<16xf32>,
    %swap3A_516 = arith.constant 272 : index
    %swap3A_517 = tpu.vector_load %arg11[%swap3A_516] {strides = array<i32>} : memref<960xf32, #tpu.memory_space<vmem>>, vector<16xf32>,
    tpu.vector_store %arg11[%swap3A_516], %gather3A_515 {strides = array<i32>} : memref<960xf32, #tpu.memory_space<vmem>>, vector<16xf32>,
    %add3A_518 = arith.constant 1 : i32
    %add3A_519 = vector.broadcast %add3A_518 : i32 to vector<16xi32>
    %add3A_520 = arith.addi %mul3A_511, %add3A_519 : vector<16xi32>
    %gather3A_521 = tpu.vector_load_idx %arg6[%add3A_520] : memref<30000xf32, #tpu.memory_space<vmem>>[vector<16xi32>], vector<16xf32>,
    %swap3A_522 = arith.constant 592 : index
    %swap3A_523 = tpu.vector_load %arg11[%swap3A_522] {strides = array<i32>} : memref<960xf32, #tpu.memory_space<vmem>>, vector<16xf32>,
    tpu.vector_store %arg11[%swap3A_522], %gather3A_521 {strides = array<i32>} : memref<960xf32, #tpu.memory_space<vmem>>, vector<16xf32>,
    %add3A_524 = arith.constant 2 : i32
    %add3A_525 = vector.broadcast %add3A_524 : i32 to vector<16xi32>
    %add3A_526 = arith.addi %mul3A_511, %add3A_525 : vector<16xi32>
    %gather3A_527 = tpu.vector_load_idx %arg6[%add3A_526] : memref<30000xf32, #tpu.memory_space<vmem>>[vector<16xi32>], vector<16xf32>,
    %swap3A_528 = arith.constant 912 : index
    %swap3A_529 = tpu.vector_load %arg11[%swap3A_528] {strides = array<i32>} : memref<960xf32, #tpu.memory_space<vmem>>, vector<16xf32>,
    tpu.vector_store %arg11[%swap3A_528], %gather3A_527 {strides = array<i32>} : memref<960xf32, #tpu.memory_space<vmem>>, vector<16xf32>,
    %add3A_530 = arith.constant 288 : i32
    %add3A_531 = arith.addi %mul3A_26, %add3A_530 : i32
    %add3A_532 = vector.broadcast %add3A_531 : i32 to vector<16xi32>
    %add3A_533 = arith.addi %add3A_532, %iota3A : vector<16xi32>
    %min3A_534 = arith.constant 9999 : i32
    %min3A_535 = vector.broadcast %min3A_534 : i32 to vector<16xi32>
    %min3A_536 = arith.minsi %add3A_533, %min3A_535 : vector<16xi32>
    %mul3A_537 = arith.constant 3 : i32
    %mul3A_538 = vector.broadcast %mul3A_537 : i32 to vector<16xi32>
    %mul3A_539 = arith.muli %min3A_536, %mul3A_538 : vector<16xi32>
    %add3A_540 = arith.constant 0 : i32
    %add3A_541 = vector.broadcast %add3A_540 : i32 to vector<16xi32>
    %add3A_542 = arith.addi %mul3A_539, %add3A_541 : vector<16xi32>
    %gather3A_543 = tpu.vector_load_idx %arg6[%add3A_542] : memref<30000xf32, #tpu.memory_space<vmem>>[vector<16xi32>], vector<16xf32>,
    %swap3A_544 = arith.constant 288 : index
    %swap3A_545 = tpu.vector_load %arg11[%swap3A_544] {strides = array<i32>} : memref<960xf32, #tpu.memory_space<vmem>>, vector<16xf32>,
    tpu.vector_store %arg11[%swap3A_544], %gather3A_543 {strides = array<i32>} : memref<960xf32, #tpu.memory_space<vmem>>, vector<16xf32>,
    %add3A_546 = arith.constant 1 : i32
    %add3A_547 = vector.broadcast %add3A_546 : i32 to vector<16xi32>
    %add3A_548 = arith.addi %mul3A_539, %add3A_547 : vector<16xi32>
    %gather3A_549 = tpu.vector_load_idx %arg6[%add3A_548] : memref<30000xf32, #tpu.memory_space<vmem>>[vector<16xi32>], vector<16xf32>,
    %swap3A_550 = arith.constant 608 : index
    %swap3A_551 = tpu.vector_load %arg11[%swap3A_550] {strides = array<i32>} : memref<960xf32, #tpu.memory_space<vmem>>, vector<16xf32>,
    tpu.vector_store %arg11[%swap3A_550], %gather3A_549 {strides = array<i32>} : memref<960xf32, #tpu.memory_space<vmem>>, vector<16xf32>,
    %add3A_552 = arith.constant 2 : i32
    %add3A_553 = vector.broadcast %add3A_552 : i32 to vector<16xi32>
    %add3A_554 = arith.addi %mul3A_539, %add3A_553 : vector<16xi32>
    %gather3A_555 = tpu.vector_load_idx %arg6[%add3A_554] : memref<30000xf32, #tpu.memory_space<vmem>>[vector<16xi32>], vector<16xf32>,
    %swap3A_556 = arith.constant 928 : index
    %swap3A_557 = tpu.vector_load %arg11[%swap3A_556] {strides = array<i32>} : memref<960xf32, #tpu.memory_space<vmem>>, vector<16xf32>,
    tpu.vector_store %arg11[%swap3A_556], %gather3A_555 {strides = array<i32>} : memref<960xf32, #tpu.memory_space<vmem>>, vector<16xf32>,
    %add3A_558 = arith.constant 304 : i32
    %add3A_559 = arith.addi %mul3A_26, %add3A_558 : i32
    %add3A_560 = vector.broadcast %add3A_559 : i32 to vector<16xi32>
    %add3A_561 = arith.addi %add3A_560, %iota3A : vector<16xi32>
    %min3A_562 = arith.constant 9999 : i32
    %min3A_563 = vector.broadcast %min3A_562 : i32 to vector<16xi32>
    %min3A_564 = arith.minsi %add3A_561, %min3A_563 : vector<16xi32>
    %mul3A_565 = arith.constant 3 : i32
    %mul3A_566 = vector.broadcast %mul3A_565 : i32 to vector<16xi32>
    %mul3A_567 = arith.muli %min3A_564, %mul3A_566 : vector<16xi32>
    %add3A_568 = arith.constant 0 : i32
    %add3A_569 = vector.broadcast %add3A_568 : i32 to vector<16xi32>
    %add3A_570 = arith.addi %mul3A_567, %add3A_569 : vector<16xi32>
    %gather3A_571 = tpu.vector_load_idx %arg6[%add3A_570] : memref<30000xf32, #tpu.memory_space<vmem>>[vector<16xi32>], vector<16xf32>,
    %swap3A_572 = arith.constant 304 : index
    %swap3A_573 = tpu.vector_load %arg11[%swap3A_572] {strides = array<i32>} : memref<960xf32, #tpu.memory_space<vmem>>, vector<16xf32>,
    tpu.vector_store %arg11[%swap3A_572], %gather3A_571 {strides = array<i32>} : memref<960xf32, #tpu.memory_space<vmem>>, vector<16xf32>,
    %add3A_574 = arith.constant 1 : i32
    %add3A_575 = vector.broadcast %add3A_574 : i32 to vector<16xi32>
    %add3A_576 = arith.addi %mul3A_567, %add3A_575 : vector<16xi32>
    %gather3A_577 = tpu.vector_load_idx %arg6[%add3A_576] : memref<30000xf32, #tpu.memory_space<vmem>>[vector<16xi32>], vector<16xf32>,
    %swap3A_578 = arith.constant 624 : index
    %swap3A_579 = tpu.vector_load %arg11[%swap3A_578] {strides = array<i32>} : memref<960xf32, #tpu.memory_space<vmem>>, vector<16xf32>,
    tpu.vector_store %arg11[%swap3A_578], %gather3A_577 {strides = array<i32>} : memref<960xf32, #tpu.memory_space<vmem>>, vector<16xf32>,
    %add3A_580 = arith.constant 2 : i32
    %add3A_581 = vector.broadcast %add3A_580 : i32 to vector<16xi32>
    %add3A_582 = arith.addi %mul3A_567, %add3A_581 : vector<16xi32>
    %gather3A_583 = tpu.vector_load_idx %arg6[%add3A_582] : memref<30000xf32, #tpu.memory_space<vmem>>[vector<16xi32>], vector<16xf32>,
    %swap3A_584 = arith.constant 944 : index
    %swap3A_585 = tpu.vector_load %arg11[%swap3A_584] {strides = array<i32>} : memref<960xf32, #tpu.memory_space<vmem>>, vector<16xf32>,
    tpu.vector_store %arg11[%swap3A_584], %gather3A_583 {strides = array<i32>} : memref<960xf32, #tpu.memory_space<vmem>>, vector<16xf32>,
    %add3A_586 = arith.constant 0 : i32
    %add3A_587 = arith.addi %add3A_586, %mul3A_26 : i32
    "tpu.region"() ({
      %run_scoped3A = tpu.sem_alloc : memref<!tpu.dma_semaphore, #tpu.memory_space<semaphore_mem>>
      %dma_start3A_602 = arith.constant 0 : i32
      %dma_start3A_603 = tpu.memref_slice %arg11[%dma_start3A_602] : memref<960xf32, #tpu.memory_space<vmem>> -> memref<320xf32, #tpu.memory_space<vmem>>
      %dma_start3A_604 = tpu.memref_slice %arg5[%add3A_587] : memref<30720xf32, #tpu.memory_space<hbm>> -> memref<320xf32, #tpu.memory_space<hbm>>
      %dma_start3A_605 = tpu.memref_slice %arg5[%add3A_587] : memref<30720xf32, #tpu.memory_space<hbm>> -> memref<320xf32, #tpu.memory_space<hbm>>
      %dma_start3A_606 = arith.constant 0 : i32
      %dma_start3A_607 = tpu.memref_slice %arg11[%dma_start3A_606] : memref<960xf32, #tpu.memory_space<vmem>> -> memref<320xf32, #tpu.memory_space<vmem>>
      tpu.enqueue_dma source(%dma_start3A_607 : memref<320xf32, #tpu.memory_space<vmem>>) target(%dma_start3A_605 : memref<320xf32, #tpu.memory_space<hbm>>) target_semaphore(%run_scoped3A : memref<!tpu.dma_semaphore, #tpu.memory_space<semaphore_mem>>)
      %dma_wait3A_608 = arith.constant 0 : i32
      %dma_wait3A_609 = tpu.memref_slice %arg11[%dma_wait3A_608] : memref<960xf32, #tpu.memory_space<vmem>> -> memref<320xf32, #tpu.memory_space<vmem>>
      %dma_wait3A_610 = tpu.memref_slice %arg5[%add3A_587] : memref<30720xf32, #tpu.memory_space<hbm>> -> memref<320xf32, #tpu.memory_space<hbm>>
      %dma_wait3A_611 = tpu.memref_slice %arg5[%add3A_587] : memref<30720xf32, #tpu.memory_space<hbm>> -> memref<320xf32, #tpu.memory_space<hbm>>
      %dma_wait3A_612 = arith.constant 0 : i32
      %dma_wait3A_613 = tpu.memref_slice %arg11[%dma_wait3A_612] : memref<960xf32, #tpu.memory_space<vmem>> -> memref<320xf32, #tpu.memory_space<vmem>>
      tpu.wait_dma2 semaphore(%run_scoped3A : memref<!tpu.dma_semaphore, #tpu.memory_space<semaphore_mem>>) src(%dma_wait3A_613 : memref<320xf32, #tpu.memory_space<vmem>>) dst(%dma_wait3A_611 : memref<320xf32, #tpu.memory_space<hbm>>)
      tpu.yield
    }) : () -> ()
    %add3A_588 = arith.constant 10240 : i32
    %add3A_589 = arith.addi %add3A_588, %mul3A_26 : i32
    "tpu.region"() ({
      %run_scoped3A = tpu.sem_alloc : memref<!tpu.dma_semaphore, #tpu.memory_space<semaphore_mem>>
      %dma_start3A_602 = arith.constant 320 : i32
      %dma_start3A_603 = tpu.memref_slice %arg11[%dma_start3A_602] : memref<960xf32, #tpu.memory_space<vmem>> -> memref<320xf32, #tpu.memory_space<vmem>>
      %dma_start3A_604 = tpu.memref_slice %arg5[%add3A_589] : memref<30720xf32, #tpu.memory_space<hbm>> -> memref<320xf32, #tpu.memory_space<hbm>>
      %dma_start3A_605 = tpu.memref_slice %arg5[%add3A_589] : memref<30720xf32, #tpu.memory_space<hbm>> -> memref<320xf32, #tpu.memory_space<hbm>>
      %dma_start3A_606 = arith.constant 320 : i32
      %dma_start3A_607 = tpu.memref_slice %arg11[%dma_start3A_606] : memref<960xf32, #tpu.memory_space<vmem>> -> memref<320xf32, #tpu.memory_space<vmem>>
      tpu.enqueue_dma source(%dma_start3A_607 : memref<320xf32, #tpu.memory_space<vmem>>) target(%dma_start3A_605 : memref<320xf32, #tpu.memory_space<hbm>>) target_semaphore(%run_scoped3A : memref<!tpu.dma_semaphore, #tpu.memory_space<semaphore_mem>>)
      %dma_wait3A_608 = arith.constant 320 : i32
      %dma_wait3A_609 = tpu.memref_slice %arg11[%dma_wait3A_608] : memref<960xf32, #tpu.memory_space<vmem>> -> memref<320xf32, #tpu.memory_space<vmem>>
      %dma_wait3A_610 = tpu.memref_slice %arg5[%add3A_589] : memref<30720xf32, #tpu.memory_space<hbm>> -> memref<320xf32, #tpu.memory_space<hbm>>
      %dma_wait3A_611 = tpu.memref_slice %arg5[%add3A_589] : memref<30720xf32, #tpu.memory_space<hbm>> -> memref<320xf32, #tpu.memory_space<hbm>>
      %dma_wait3A_612 = arith.constant 320 : i32
      %dma_wait3A_613 = tpu.memref_slice %arg11[%dma_wait3A_612] : memref<960xf32, #tpu.memory_space<vmem>> -> memref<320xf32, #tpu.memory_space<vmem>>
      tpu.wait_dma2 semaphore(%run_scoped3A : memref<!tpu.dma_semaphore, #tpu.memory_space<semaphore_mem>>) src(%dma_wait3A_613 : memref<320xf32, #tpu.memory_space<vmem>>) dst(%dma_wait3A_611 : memref<320xf32, #tpu.memory_space<hbm>>)
      tpu.yield
    }) : () -> ()
    %add3A_590 = arith.constant 20480 : i32
    %add3A_591 = arith.addi %add3A_590, %mul3A_26 : i32
    "tpu.region"() ({
      %run_scoped3A = tpu.sem_alloc : memref<!tpu.dma_semaphore, #tpu.memory_space<semaphore_mem>>
      %dma_start3A_602 = arith.constant 640 : i32
      %dma_start3A_603 = tpu.memref_slice %arg11[%dma_start3A_602] : memref<960xf32, #tpu.memory_space<vmem>> -> memref<320xf32, #tpu.memory_space<vmem>>
      %dma_start3A_604 = tpu.memref_slice %arg5[%add3A_591] : memref<30720xf32, #tpu.memory_space<hbm>> -> memref<320xf32, #tpu.memory_space<hbm>>
      %dma_start3A_605 = tpu.memref_slice %arg5[%add3A_591] : memref<30720xf32, #tpu.memory_space<hbm>> -> memref<320xf32, #tpu.memory_space<hbm>>
      %dma_start3A_606 = arith.constant 640 : i32
      %dma_start3A_607 = tpu.memref_slice %arg11[%dma_start3A_606] : memref<960xf32, #tpu.memory_space<vmem>> -> memref<320xf32, #tpu.memory_space<vmem>>
      tpu.enqueue_dma source(%dma_start3A_607 : memref<320xf32, #tpu.memory_space<vmem>>) target(%dma_start3A_605 : memref<320xf32, #tpu.memory_space<hbm>>) target_semaphore(%run_scoped3A : memref<!tpu.dma_semaphore, #tpu.memory_space<semaphore_mem>>)
      %dma_wait3A_608 = arith.constant 640 : i32
      %dma_wait3A_609 = tpu.memref_slice %arg11[%dma_wait3A_608] : memref<960xf32, #tpu.memory_space<vmem>> -> memref<320xf32, #tpu.memory_space<vmem>>
      %dma_wait3A_610 = tpu.memref_slice %arg5[%add3A_591] : memref<30720xf32, #tpu.memory_space<hbm>> -> memref<320xf32, #tpu.memory_space<hbm>>
      %dma_wait3A_611 = tpu.memref_slice %arg5[%add3A_591] : memref<30720xf32, #tpu.memory_space<hbm>> -> memref<320xf32, #tpu.memory_space<hbm>>
      %dma_wait3A_612 = arith.constant 640 : i32
      %dma_wait3A_613 = tpu.memref_slice %arg11[%dma_wait3A_612] : memref<960xf32, #tpu.memory_space<vmem>> -> memref<320xf32, #tpu.memory_space<vmem>>
      tpu.wait_dma2 semaphore(%run_scoped3A : memref<!tpu.dma_semaphore, #tpu.memory_space<semaphore_mem>>) src(%dma_wait3A_613 : memref<320xf32, #tpu.memory_space<vmem>>) dst(%dma_wait3A_611 : memref<320xf32, #tpu.memory_space<hbm>>)
      tpu.yield
    }) : () -> ()
    %parallel_loop3A = arith.constant 0 : i32
    %parallel_loop3A_592 = arith.constant 328 : i32
    %parallel_loop3A_593 = arith.constant 1 : i32
    scf.for %parallel_loop3A_602 = %parallel_loop3A to %parallel_loop3A_592 step %parallel_loop3A_593  : i32 {
      %parallel_loop3A_603 = arith.constant 16 : i32
      %parallel_loop3A_604 = arith.muli %parallel_loop3A_602, %parallel_loop3A_603 : i32
      %parallel_loop3A_605 = arith.constant 0 : i32
      %parallel_loop3A_606 = arith.index_cast %parallel_loop3A_605 : i32 to index
      %parallel_loop3A_607 = arith.index_cast %parallel_loop3A_604 : i32 to index
      %parallel_loop3A_608 = tpu.vector_load %arg7[%parallel_loop3A_606, %parallel_loop3A_607] {strides = array<i32>} : memref<2x5248xi32, #tpu.memory_space<vmem>>, vector<16xi32>,
      %parallel_loop3A_609 = arith.constant 1 : i32
      %parallel_loop3A_610 = arith.index_cast %parallel_loop3A_609 : i32 to index
      %parallel_loop3A_611 = arith.index_cast %parallel_loop3A_604 : i32 to index
      %parallel_loop3A_612 = tpu.vector_load %arg7[%parallel_loop3A_610, %parallel_loop3A_611] {strides = array<i32>} : memref<2x5248xi32, #tpu.memory_space<vmem>>, vector<16xi32>,
      %parallel_loop3A_613 = arith.constant 3 : i32
      %parallel_loop3A_614 = vector.broadcast %parallel_loop3A_613 : i32 to vector<16xi32>
      %parallel_loop3A_615 = arith.muli %parallel_loop3A_608, %parallel_loop3A_614 : vector<16xi32>
      %parallel_loop3A_616 = tpu.vector_load_idx %arg6[%parallel_loop3A_615] : memref<30000xf32, #tpu.memory_space<vmem>>[vector<16xi32>], vector<16xf32>,
      %parallel_loop3A_617 = arith.constant 1 : i32
      %parallel_loop3A_618 = vector.broadcast %parallel_loop3A_617 : i32 to vector<16xi32>
      %parallel_loop3A_619 = arith.addi %parallel_loop3A_615, %parallel_loop3A_618 : vector<16xi32>
      %parallel_loop3A_620 = tpu.vector_load_idx %arg6[%parallel_loop3A_619] : memref<30000xf32, #tpu.memory_space<vmem>>[vector<16xi32>], vector<16xf32>,
      %parallel_loop3A_621 = arith.constant 2 : i32
      %parallel_loop3A_622 = vector.broadcast %parallel_loop3A_621 : i32 to vector<16xi32>
      %parallel_loop3A_623 = arith.addi %parallel_loop3A_615, %parallel_loop3A_622 : vector<16xi32>
      %parallel_loop3A_624 = tpu.vector_load_idx %arg6[%parallel_loop3A_623] : memref<30000xf32, #tpu.memory_space<vmem>>[vector<16xi32>], vector<16xf32>,
      %parallel_loop3A_625 = arith.maximumf %parallel_loop3A_620, %parallel_loop3A_624 : vector<16xf32>
      %parallel_loop3A_626 = arith.cmpf ogt, %parallel_loop3A_625, %parallel_loop3A_616 : vector<16xf32>
      %parallel_loop3A_627 = arith.extui %parallel_loop3A_626 : vector<16xi1> to vector<16xi32>
      %parallel_loop3A_628 = arith.addi %min3A_3, %parallel_loop3A_604 : i32
      %parallel_loop3A_629 = vector.broadcast %parallel_loop3A_628 : i32 to vector<16xi32>
      %parallel_loop3A_630 = arith.addi %parallel_loop3A_629, %iota3A : vector<16xi32>
      %parallel_loop3A_631 = arith.constant 2 : i32
      %parallel_loop3A_632 = vector.broadcast %parallel_loop3A_631 : i32 to vector<16xi32>
      %parallel_loop3A_633 = arith.muli %parallel_loop3A_630, %parallel_loop3A_632 : vector<16xi32>
      %parallel_loop3A_634 = arith.addi %parallel_loop3A_633, %parallel_loop3A_627 : vector<16xi32>
      %parallel_loop3A_635 = arith.constant 16 : i32
      %parallel_loop3A_636 = vector.broadcast %parallel_loop3A_635 : i32 to vector<16xi32>
      %parallel_loop3A_637 = arith.muli %parallel_loop3A_612, %parallel_loop3A_636 : vector<16xi32>
      %parallel_loop3A_638 = arith.addi %parallel_loop3A_637, %iota3A : vector<16xi32>
      %parallel_loop3A_639 = arith.constant dense<true> : vector<16xi1>
      %parallel_loop3A_640 = arith.constant -2147483648 : i32
      %parallel_loop3A_641 = vector.broadcast %parallel_loop3A_640 : i32 to vector<16xi32>
      %parallel_loop3A_642 = arith.xori %parallel_loop3A_638, %parallel_loop3A_641 : vector<16xi32>
      %parallel_loop3A_643, %parallel_loop3A_644, %parallel_loop3A_645 = tpu.sort %parallel_loop3A_642, %parallel_loop3A_634 masked %parallel_loop3A_639 : (vector<16xi32>, vector<16xi32>, vector<16xi1>) -> (vector<16xi1>, vector<16xi32>, vector<16xi32>)
      %parallel_loop3A_646 = arith.xori %parallel_loop3A_644, %parallel_loop3A_641 : vector<16xi32>
      %parallel_loop3A_647 = arith.constant 4 : i32
      %parallel_loop3A_648 = vector.broadcast %parallel_loop3A_647 : i32 to vector<16xi32>
      %parallel_loop3A_649 = arith.shrui %parallel_loop3A_646, %parallel_loop3A_648 : vector<16xi32>
      %parallel_loop3A_650 = vector.shape_cast %min3A_15 : vector<16xi32> to vector<16x1xi32>
      %parallel_loop3A_651 = vector.shape_cast %parallel_loop3A_650 : vector<16x1xi32> to vector<16xi32>
      %parallel_loop3A_652 = tpu.dynamic_gather %parallel_loop3A_649[%parallel_loop3A_651] in [0] : vector<16xi32>, vector<16xi32> -> vector<16xi32>
      %parallel_loop3A_653 = arith.cmpi ne, %parallel_loop3A_649, %parallel_loop3A_652 : vector<16xi32>
      %parallel_loop3A_654 = arith.ori %eq3A_9, %parallel_loop3A_653 : vector<16xi1>
      %parallel_loop3A_655 = arith.constant 10240 : i32
      %parallel_loop3A_656 = vector.broadcast %parallel_loop3A_655 : i32 to vector<16xi32>
      %parallel_loop3A_657 = arith.select %parallel_loop3A_654, %parallel_loop3A_649, %parallel_loop3A_656 : vector<16xi1>, vector<16xi32>
      %parallel_loop3A_658 = arith.index_cast %parallel_loop3A_604 : i32 to index
      %parallel_loop3A_659 = tpu.vector_load %arg9[%parallel_loop3A_658] {strides = array<i32>} : memref<5248xi32, #tpu.memory_space<vmem>>, vector<16xi32>,
      tpu.vector_store %arg9[%parallel_loop3A_658], %parallel_loop3A_657 {strides = array<i32>} : memref<5248xi32, #tpu.memory_space<vmem>>, vector<16xi32>,
      %parallel_loop3A_660 = arith.index_cast %parallel_loop3A_604 : i32 to index
      %parallel_loop3A_661 = tpu.vector_load %arg10[%parallel_loop3A_660] {strides = array<i32>} : memref<5248xi32, #tpu.memory_space<vmem>>, vector<16xi32>,
      tpu.vector_store %arg10[%parallel_loop3A_660], %parallel_loop3A_645 {strides = array<i32>} : memref<5248xi32, #tpu.memory_space<vmem>>, vector<16xi32>,
    } {sc.loop_unroll_factor = 4 : i64, sc.parallel_access}
    %scan3A_594 = arith.constant 0 : i32
    %scan3A_595 = arith.constant 0 : i32
    %scan3A_596 = arith.constant 82 : i32
    %scan3A_597 = arith.addi %scan3A_595, %scan3A_596 : i32
    %scan3A_598 = arith.constant 1 : i32
    scf.for %scan3A_602 = %scan3A_595 to %scan3A_597 step %scan3A_598  : i32 {
      %mul3A_603 = arith.constant 64 : i32
      %mul3A_604 = arith.muli %scan3A_602, %mul3A_603 : i32
      %add3A_605 = arith.constant 0 : i32
      %add3A_606 = arith.addi %mul3A_604, %add3A_605 : i32
      %get3A = arith.index_cast %add3A_606 : i32 to index
      %get3A_607 = tpu.vector_load %arg9[%get3A] {strides = array<i32>} : memref<5248xi32, #tpu.memory_space<vmem>>, vector<16xi32>,
      %get3A_608 = arith.index_cast %add3A_606 : i32 to index
      %get3A_609 = tpu.vector_load %arg10[%get3A_608] {strides = array<i32>} : memref<5248xi32, #tpu.memory_space<vmem>>, vector<16xi32>,
      tpu.vector_store_idx %arg8[%get3A_607], %get3A_609 : memref<10256xi32, #tpu.memory_space<vmem>>[vector<16xi32>], vector<16xi32>,
      %add3A_610 = arith.constant 16 : i32
      %add3A_611 = arith.addi %mul3A_604, %add3A_610 : i32
      %get3A_612 = arith.index_cast %add3A_611 : i32 to index
      %get3A_613 = tpu.vector_load %arg9[%get3A_612] {strides = array<i32>} : memref<5248xi32, #tpu.memory_space<vmem>>, vector<16xi32>,
      %get3A_614 = arith.index_cast %add3A_611 : i32 to index
      %get3A_615 = tpu.vector_load %arg10[%get3A_614] {strides = array<i32>} : memref<5248xi32, #tpu.memory_space<vmem>>, vector<16xi32>,
      tpu.vector_store_idx %arg8[%get3A_613], %get3A_615 : memref<10256xi32, #tpu.memory_space<vmem>>[vector<16xi32>], vector<16xi32>,
      %add3A_616 = arith.constant 32 : i32
      %add3A_617 = arith.addi %mul3A_604, %add3A_616 : i32
      %get3A_618 = arith.index_cast %add3A_617 : i32 to index
      %get3A_619 = tpu.vector_load %arg9[%get3A_618] {strides = array<i32>} : memref<5248xi32, #tpu.memory_space<vmem>>, vector<16xi32>,
      %get3A_620 = arith.index_cast %add3A_617 : i32 to index
      %get3A_621 = tpu.vector_load %arg10[%get3A_620] {strides = array<i32>} : memref<5248xi32, #tpu.memory_space<vmem>>, vector<16xi32>,
      tpu.vector_store_idx %arg8[%get3A_619], %get3A_621 : memref<10256xi32, #tpu.memory_space<vmem>>[vector<16xi32>], vector<16xi32>,
      %add3A_622 = arith.constant 48 : i32
      %add3A_623 = arith.addi %mul3A_604, %add3A_622 : i32
      %get3A_624 = arith.index_cast %add3A_623 : i32 to index
      %get3A_625 = tpu.vector_load %arg9[%get3A_624] {strides = array<i32>} : memref<5248xi32, #tpu.memory_space<vmem>>, vector<16xi32>,
      %get3A_626 = arith.index_cast %add3A_623 : i32 to index
      %get3A_627 = tpu.vector_load %arg10[%get3A_626] {strides = array<i32>} : memref<5248xi32, #tpu.memory_space<vmem>>, vector<16xi32>,
      tpu.vector_store_idx %arg8[%get3A_625], %get3A_627 : memref<10256xi32, #tpu.memory_space<vmem>>[vector<16xi32>], vector<16xi32>,
    }
    %scan3A_599 = arith.constant 82 : i32
    %mul3A_600 = arith.constant 10240 : i32
    %mul3A_601 = arith.muli %add3A, %mul3A_600 : i32
    "tpu.region"() ({
      %run_scoped3A = tpu.sem_alloc : memref<!tpu.dma_semaphore, #tpu.memory_space<semaphore_mem>>
      %dma_start3A_602 = arith.constant 0 : i32
      %dma_start3A_603 = tpu.memref_slice %arg8[%dma_start3A_602] : memref<10256xi32, #tpu.memory_space<vmem>> -> memref<10240xi32, #tpu.memory_space<vmem>>
      %dma_start3A_604 = tpu.memref_slice %arg4[%mul3A_601] : memref<327680xi32, #tpu.memory_space<hbm>> -> memref<10240xi32, #tpu.memory_space<hbm>>
      %dma_start3A_605 = tpu.memref_slice %arg4[%mul3A_601] : memref<327680xi32, #tpu.memory_space<hbm>> -> memref<10240xi32, #tpu.memory_space<hbm>>
      %dma_start3A_606 = arith.constant 0 : i32
      %dma_start3A_607 = tpu.memref_slice %arg8[%dma_start3A_606] : memref<10256xi32, #tpu.memory_space<vmem>> -> memref<10240xi32, #tpu.memory_space<vmem>>
      tpu.enqueue_dma source(%dma_start3A_607 : memref<10240xi32, #tpu.memory_space<vmem>>) target(%dma_start3A_605 : memref<10240xi32, #tpu.memory_space<hbm>>) target_semaphore(%run_scoped3A : memref<!tpu.dma_semaphore, #tpu.memory_space<semaphore_mem>>)
      %dma_wait3A_608 = arith.constant 0 : i32
      %dma_wait3A_609 = tpu.memref_slice %arg8[%dma_wait3A_608] : memref<10256xi32, #tpu.memory_space<vmem>> -> memref<10240xi32, #tpu.memory_space<vmem>>
      %dma_wait3A_610 = tpu.memref_slice %arg4[%mul3A_601] : memref<327680xi32, #tpu.memory_space<hbm>> -> memref<10240xi32, #tpu.memory_space<hbm>>
      %dma_wait3A_611 = tpu.memref_slice %arg4[%mul3A_601] : memref<327680xi32, #tpu.memory_space<hbm>> -> memref<10240xi32, #tpu.memory_space<hbm>>
      %dma_wait3A_612 = arith.constant 0 : i32
      %dma_wait3A_613 = tpu.memref_slice %arg8[%dma_wait3A_612] : memref<10256xi32, #tpu.memory_space<vmem>> -> memref<10240xi32, #tpu.memory_space<vmem>>
      tpu.wait_dma2 semaphore(%run_scoped3A : memref<!tpu.dma_semaphore, #tpu.memory_space<semaphore_mem>>) src(%dma_wait3A_613 : memref<10240xi32, #tpu.memory_space<vmem>>) dst(%dma_wait3A_611 : memref<10240xi32, #tpu.memory_space<hbm>>)
      tpu.yield
    }) : () -> ()
    return
  }
}

module attributes {stable_mosaic.version = 14 : i64} {
  func.func @body(%arg0: memref<327680xi32, #tpu.memory_space<vmem>>, %arg1: memref<30720xf32, #tpu.memory_space<vmem>>, %arg2: memref<27x3xf32, #tpu.memory_space<vmem>>, %arg3: memref<3x10000xf32, #tpu.memory_space<vmem>>) attributes {dimension_semantics = [], scalar_prefetch = 0 : i64, scratch_operands = 0 : i64, tpu.core_type = #tpu.core_type<tc>} {
    %get3A = arith.constant 0 : index
    %get3A_0 = vector.load %arg0[%get3A] : memref<327680xi32, #tpu.memory_space<vmem>>, vector<10240xi32>
    %get3A_1 = arith.constant 10240 : index
    %get3A_2 = vector.load %arg0[%get3A_1] : memref<327680xi32, #tpu.memory_space<vmem>>, vector<10240xi32>
    %max3A = arith.maxsi %get3A_0, %get3A_2 : vector<10240xi32>
    %get3A_3 = arith.constant 20480 : index
    %get3A_4 = vector.load %arg0[%get3A_3] : memref<327680xi32, #tpu.memory_space<vmem>>, vector<10240xi32>
    %max3A_5 = arith.maxsi %max3A, %get3A_4 : vector<10240xi32>
    %get3A_6 = arith.constant 30720 : index
    %get3A_7 = vector.load %arg0[%get3A_6] : memref<327680xi32, #tpu.memory_space<vmem>>, vector<10240xi32>
    %max3A_8 = arith.maxsi %max3A_5, %get3A_7 : vector<10240xi32>
    %get3A_9 = arith.constant 40960 : index
    %get3A_10 = vector.load %arg0[%get3A_9] : memref<327680xi32, #tpu.memory_space<vmem>>, vector<10240xi32>
    %max3A_11 = arith.maxsi %max3A_8, %get3A_10 : vector<10240xi32>
    %get3A_12 = arith.constant 51200 : index
    %get3A_13 = vector.load %arg0[%get3A_12] : memref<327680xi32, #tpu.memory_space<vmem>>, vector<10240xi32>
    %max3A_14 = arith.maxsi %max3A_11, %get3A_13 : vector<10240xi32>
    %get3A_15 = arith.constant 61440 : index
    %get3A_16 = vector.load %arg0[%get3A_15] : memref<327680xi32, #tpu.memory_space<vmem>>, vector<10240xi32>
    %max3A_17 = arith.maxsi %max3A_14, %get3A_16 : vector<10240xi32>
    %get3A_18 = arith.constant 71680 : index
    %get3A_19 = vector.load %arg0[%get3A_18] : memref<327680xi32, #tpu.memory_space<vmem>>, vector<10240xi32>
    %max3A_20 = arith.maxsi %max3A_17, %get3A_19 : vector<10240xi32>
    %get3A_21 = arith.constant 81920 : index
    %get3A_22 = vector.load %arg0[%get3A_21] : memref<327680xi32, #tpu.memory_space<vmem>>, vector<10240xi32>
    %max3A_23 = arith.maxsi %max3A_20, %get3A_22 : vector<10240xi32>
    %get3A_24 = arith.constant 92160 : index
    %get3A_25 = vector.load %arg0[%get3A_24] : memref<327680xi32, #tpu.memory_space<vmem>>, vector<10240xi32>
    %max3A_26 = arith.maxsi %max3A_23, %get3A_25 : vector<10240xi32>
    %get3A_27 = arith.constant 102400 : index
    %get3A_28 = vector.load %arg0[%get3A_27] : memref<327680xi32, #tpu.memory_space<vmem>>, vector<10240xi32>
    %max3A_29 = arith.maxsi %max3A_26, %get3A_28 : vector<10240xi32>
    %get3A_30 = arith.constant 112640 : index
    %get3A_31 = vector.load %arg0[%get3A_30] : memref<327680xi32, #tpu.memory_space<vmem>>, vector<10240xi32>
    %max3A_32 = arith.maxsi %max3A_29, %get3A_31 : vector<10240xi32>
    %get3A_33 = arith.constant 122880 : index
    %get3A_34 = vector.load %arg0[%get3A_33] : memref<327680xi32, #tpu.memory_space<vmem>>, vector<10240xi32>
    %max3A_35 = arith.maxsi %max3A_32, %get3A_34 : vector<10240xi32>
    %get3A_36 = arith.constant 133120 : index
    %get3A_37 = vector.load %arg0[%get3A_36] : memref<327680xi32, #tpu.memory_space<vmem>>, vector<10240xi32>
    %max3A_38 = arith.maxsi %max3A_35, %get3A_37 : vector<10240xi32>
    %get3A_39 = arith.constant 143360 : index
    %get3A_40 = vector.load %arg0[%get3A_39] : memref<327680xi32, #tpu.memory_space<vmem>>, vector<10240xi32>
    %max3A_41 = arith.maxsi %max3A_38, %get3A_40 : vector<10240xi32>
    %get3A_42 = arith.constant 153600 : index
    %get3A_43 = vector.load %arg0[%get3A_42] : memref<327680xi32, #tpu.memory_space<vmem>>, vector<10240xi32>
    %max3A_44 = arith.maxsi %max3A_41, %get3A_43 : vector<10240xi32>
    %get3A_45 = arith.constant 163840 : index
    %get3A_46 = vector.load %arg0[%get3A_45] : memref<327680xi32, #tpu.memory_space<vmem>>, vector<10240xi32>
    %max3A_47 = arith.maxsi %max3A_44, %get3A_46 : vector<10240xi32>
    %get3A_48 = arith.constant 174080 : index
    %get3A_49 = vector.load %arg0[%get3A_48] : memref<327680xi32, #tpu.memory_space<vmem>>, vector<10240xi32>
    %max3A_50 = arith.maxsi %max3A_47, %get3A_49 : vector<10240xi32>
    %get3A_51 = arith.constant 184320 : index
    %get3A_52 = vector.load %arg0[%get3A_51] : memref<327680xi32, #tpu.memory_space<vmem>>, vector<10240xi32>
    %max3A_53 = arith.maxsi %max3A_50, %get3A_52 : vector<10240xi32>
    %get3A_54 = arith.constant 194560 : index
    %get3A_55 = vector.load %arg0[%get3A_54] : memref<327680xi32, #tpu.memory_space<vmem>>, vector<10240xi32>
    %max3A_56 = arith.maxsi %max3A_53, %get3A_55 : vector<10240xi32>
    %get3A_57 = arith.constant 204800 : index
    %get3A_58 = vector.load %arg0[%get3A_57] : memref<327680xi32, #tpu.memory_space<vmem>>, vector<10240xi32>
    %max3A_59 = arith.maxsi %max3A_56, %get3A_58 : vector<10240xi32>
    %get3A_60 = arith.constant 215040 : index
    %get3A_61 = vector.load %arg0[%get3A_60] : memref<327680xi32, #tpu.memory_space<vmem>>, vector<10240xi32>
    %max3A_62 = arith.maxsi %max3A_59, %get3A_61 : vector<10240xi32>
    %get3A_63 = arith.constant 225280 : index
    %get3A_64 = vector.load %arg0[%get3A_63] : memref<327680xi32, #tpu.memory_space<vmem>>, vector<10240xi32>
    %max3A_65 = arith.maxsi %max3A_62, %get3A_64 : vector<10240xi32>
    %get3A_66 = arith.constant 235520 : index
    %get3A_67 = vector.load %arg0[%get3A_66] : memref<327680xi32, #tpu.memory_space<vmem>>, vector<10240xi32>
    %max3A_68 = arith.maxsi %max3A_65, %get3A_67 : vector<10240xi32>
    %get3A_69 = arith.constant 245760 : index
    %get3A_70 = vector.load %arg0[%get3A_69] : memref<327680xi32, #tpu.memory_space<vmem>>, vector<10240xi32>
    %max3A_71 = arith.maxsi %max3A_68, %get3A_70 : vector<10240xi32>
    %get3A_72 = arith.constant 256000 : index
    %get3A_73 = vector.load %arg0[%get3A_72] : memref<327680xi32, #tpu.memory_space<vmem>>, vector<10240xi32>
    %max3A_74 = arith.maxsi %max3A_71, %get3A_73 : vector<10240xi32>
    %get3A_75 = arith.constant 266240 : index
    %get3A_76 = vector.load %arg0[%get3A_75] : memref<327680xi32, #tpu.memory_space<vmem>>, vector<10240xi32>
    %max3A_77 = arith.maxsi %max3A_74, %get3A_76 : vector<10240xi32>
    %get3A_78 = arith.constant 276480 : index
    %get3A_79 = vector.load %arg0[%get3A_78] : memref<327680xi32, #tpu.memory_space<vmem>>, vector<10240xi32>
    %max3A_80 = arith.maxsi %max3A_77, %get3A_79 : vector<10240xi32>
    %get3A_81 = arith.constant 286720 : index
    %get3A_82 = vector.load %arg0[%get3A_81] : memref<327680xi32, #tpu.memory_space<vmem>>, vector<10240xi32>
    %max3A_83 = arith.maxsi %max3A_80, %get3A_82 : vector<10240xi32>
    %get3A_84 = arith.constant 296960 : index
    %get3A_85 = vector.load %arg0[%get3A_84] : memref<327680xi32, #tpu.memory_space<vmem>>, vector<10240xi32>
    %max3A_86 = arith.maxsi %max3A_83, %get3A_85 : vector<10240xi32>
    %get3A_87 = arith.constant 307200 : index
    %get3A_88 = vector.load %arg0[%get3A_87] : memref<327680xi32, #tpu.memory_space<vmem>>, vector<10240xi32>
    %max3A_89 = arith.maxsi %max3A_86, %get3A_88 : vector<10240xi32>
    %get3A_90 = arith.constant 317440 : index
    %get3A_91 = vector.load %arg0[%get3A_90] : memref<327680xi32, #tpu.memory_space<vmem>>, vector<10240xi32>
    %max3A_92 = arith.maxsi %max3A_89, %get3A_91 : vector<10240xi32>
    %reshape3A = vector.shape_cast %max3A_92 : vector<10240xi32> to vector<1x10240xi32>
    %ge3A = arith.constant 0 : i32
    %ge3A_93 = vector.broadcast %ge3A : i32 to vector<1x10240xi32>
    %ge3A_94 = arith.cmpi sge, %reshape3A, %ge3A_93 : vector<1x10240xi32>
    %and3A = arith.constant 1 : i32
    %and3A_95 = vector.broadcast %and3A : i32 to vector<1x10240xi32>
    %and3A_96 = arith.andi %reshape3A, %and3A_95 : vector<1x10240xi32>
    %eq3A = arith.constant 1 : i32
    %eq3A_97 = vector.broadcast %eq3A : i32 to vector<1x10240xi32>
    %eq3A_98 = arith.cmpi eq, %and3A_96, %eq3A_97 : vector<1x10240xi32>
    %and3A_99 = arith.andi %ge3A_94, %eq3A_98 : vector<1x10240xi1>
    %iota3A = tpu.iota {dimensions = array<i32: 1>} : vector<1x10240xi32>
    %and3A_100 = arith.constant 1 : i32
    %and3A_101 = vector.broadcast %and3A_100 : i32 to vector<1x10240xi32>
    %and3A_102 = arith.andi %iota3A, %and3A_101 : vector<1x10240xi32>
    %eq3A_103 = arith.constant 1 : i32
    %eq3A_104 = vector.broadcast %eq3A_103 : i32 to vector<1x10240xi32>
    %eq3A_105 = arith.cmpi eq, %and3A_102, %eq3A_104 : vector<1x10240xi32>
    %get3A_106 = arith.constant 0 : index
    %get3A_107 = arith.constant 0 : index
    %get3A_108 = vector.load %arg2[%get3A_106, %get3A_107] : memref<27x3xf32, #tpu.memory_space<vmem>>, vector<27x3xf32>
    %reduce_max3A = arith.constant dense<0xFF800000> : vector<27xf32>
    %reduce_max3A_109 = vector.multi_reduction <maximumf>, %get3A_108, %reduce_max3A [1] : vector<27x3xf32> to vector<27xf32>
    %broadcast_in_dim3A = vector.shape_cast %reduce_max3A_109 : vector<27xf32> to vector<27x1xf32>
    %sub3A = vector.broadcast %broadcast_in_dim3A : vector<27x1xf32> to vector<27x3xf32>
    %sub3A_110 = arith.subf %get3A_108, %sub3A : vector<27x3xf32>
    %exp3A = math.exp %sub3A_110 : vector<27x3xf32>
    %reduce_sum3A = arith.constant dense<0.000000e+00> : vector<27xf32>
    %reduce_sum3A_111 = vector.multi_reduction <add>, %exp3A, %reduce_sum3A [1] : vector<27x3xf32> to vector<27xf32>
    %broadcast_in_dim3A_112 = vector.shape_cast %reduce_sum3A_111 : vector<27xf32> to vector<27x1xf32>
    %div3A = vector.broadcast %broadcast_in_dim3A_112 : vector<27x1xf32> to vector<27x3xf32>
    %div3A_113 = arith.divf %exp3A, %div3A : vector<27x3xf32>
    %get3A_114 = arith.constant 0 : index
    %get3A_115 = vector.load %arg1[%get3A_114] : memref<30720xf32, #tpu.memory_space<vmem>>, vector<10240xf32>
    %reshape3A_116 = vector.shape_cast %get3A_115 : vector<10240xf32> to vector<1x10240xf32>
    %get3A_117 = arith.constant 10240 : index
    %get3A_118 = vector.load %arg1[%get3A_117] : memref<30720xf32, #tpu.memory_space<vmem>>, vector<10240xf32>
    %reshape3A_119 = vector.shape_cast %get3A_118 : vector<10240xf32> to vector<1x10240xf32>
    %get3A_120 = arith.constant 20480 : index
    %get3A_121 = vector.load %arg1[%get3A_120] : memref<30720xf32, #tpu.memory_space<vmem>>, vector<10240xf32>
    %reshape3A_122 = vector.shape_cast %get3A_121 : vector<10240xf32> to vector<1x10240xf32>
    %concatenate3A = tpu.concatenate %reshape3A_116, %reshape3A_119, %reshape3A_122 in 0 : vector<1x10240xf32>, vector<1x10240xf32>, vector<1x10240xf32> -> vector<3x10240xf32>
    %slice3A = vector.extract_strided_slice %div3A_113 {offsets = [0, 0], sizes = [3, 3], strides = [1, 1]} : vector<27x3xf32> to vector<3x3xf32>
    %dot_general3A = arith.constant dense<0.000000e+00> : vector<3x10240xf32>
    %dot_general3A_123 = tpu.matmul %slice3A, %concatenate3A, %dot_general3A {dimension_numbers = #tpu.dot_dimension_numbers<[0], [0], [1], [1], [0, 1, 1, 1], [], []>, precision = #tpu.contract_precision<fp32>, transpose_lhs_hint = false} : vector<3x3xf32>, vector<3x10240xf32>, vector<3x10240xf32> -> vector<3x10240xf32>
    %slice3A_124 = vector.extract_strided_slice %div3A_113 {offsets = [3, 0], sizes = [3, 3], strides = [1, 1]} : vector<27x3xf32> to vector<3x3xf32>
    %dot_general3A_125 = arith.constant dense<0.000000e+00> : vector<3x10240xf32>
    %dot_general3A_126 = tpu.matmul %slice3A_124, %concatenate3A, %dot_general3A_125 {dimension_numbers = #tpu.dot_dimension_numbers<[0], [0], [1], [1], [0, 1, 1, 1], [], []>, precision = #tpu.contract_precision<fp32>, transpose_lhs_hint = false} : vector<3x3xf32>, vector<3x10240xf32>, vector<3x10240xf32> -> vector<3x10240xf32>
    %slice3A_127 = vector.extract_strided_slice %div3A_113 {offsets = [9, 0], sizes = [3, 3], strides = [1, 1]} : vector<27x3xf32> to vector<3x3xf32>
    %dot_general3A_128 = arith.constant dense<0.000000e+00> : vector<3x10240xf32>
    %dot_general3A_129 = tpu.matmul %slice3A_127, %concatenate3A, %dot_general3A_128 {dimension_numbers = #tpu.dot_dimension_numbers<[0], [0], [1], [1], [0, 1, 1, 1], [], []>, precision = #tpu.contract_precision<fp32>, transpose_lhs_hint = false} : vector<3x3xf32>, vector<3x10240xf32>, vector<3x10240xf32> -> vector<3x10240xf32>
    %broadcast_in_dim3A_130 = vector.shape_cast %eq3A_105 : vector<1x10240xi1> to vector<1x10240xi1>
    %broadcast_in_dim3A_131 = vector.broadcast %broadcast_in_dim3A_130 : vector<1x10240xi1> to vector<3x10240xi1>
    %select_n3A = arith.select %broadcast_in_dim3A_131, %dot_general3A_126, %dot_general3A_129 : vector<3x10240xi1>, vector<3x10240xf32>
    %broadcast_in_dim3A_132 = vector.shape_cast %and3A_99 : vector<1x10240xi1> to vector<1x10240xi1>
    %broadcast_in_dim3A_133 = vector.broadcast %broadcast_in_dim3A_132 : vector<1x10240xi1> to vector<3x10240xi1>
    %select_n3A_134 = arith.select %broadcast_in_dim3A_133, %select_n3A, %dot_general3A_123 : vector<3x10240xi1>, vector<3x10240xf32>
    %slice3A_135 = vector.extract_strided_slice %select_n3A_134 {offsets = [0, 0], sizes = [3, 10000], strides = [1, 1]} : vector<3x10240xf32> to vector<3x10000xf32>
    %swap3A = arith.constant 0 : index
    %swap3A_136 = arith.constant 0 : index
    %swap3A_137 = vector.load %arg3[%swap3A, %swap3A_136] : memref<3x10000xf32, #tpu.memory_space<vmem>>, vector<3x10000xf32>
    tpu.vector_store %arg3[%swap3A, %swap3A_136], %slice3A_135 {strides = array<i32>} : memref<3x10000xf32, #tpu.memory_space<vmem>>, vector<3x10000xf32>,
    return
  }
}

</mosaic_0001>

<sc_bundles>
// kernel: kernel.4.cloned.1.call-start
scs
__scs_entry_jumppad:
0x0: {  	(pc) =	sbr.rel $0x88, $3  }
0x1: {  	(tag) =	ssettag $0x0;
	lr =	simm.s32 $0x1  }
0x2: {  	[smem:$0x3F9E] =	sst lr;
	_ =	strace $0xD0000000  }
0x3: {  	_ = 	snop  }
0x4: {  	_ = 	snop  }
0x5: {  	_ = 	snop  }
0x6: {  	_ = 	snop  }
0x7: {  	_ = 	snop  }
__scs_overlays_trampoline_lowered:
0x8: {  	[smem:$0x3FAD] =	sst s0  }
0x9: {  	[smem:$0x3FAE] =	sst s1  }
0xa: {  	[smem:$0x3FAF] =	sst s2  }
0xb: {  	[smem:$0x3FB0] =	sst s3  }
0xc: {  	[smem:$0x3FB1] =	sst s4  }
0xd: {  	[smem:$0x3FB2] =	sst s5  }
0xe: {  	[smem:$0x3FB3] =	sst s6  }
0xf: {  	[smem:$0x3FB4] =	sst s7  }
0x10: {  	[smem:$0x3FB5] =	sst s8  }
0x11: {  	[smem:$0x3FB6] =	sst s9;
	s0 =	simm.s32 @!p0 $0x0  }
0x12: {  	s1 =	sld [smem:$0x3F9C];
	s0 =	simm.s32 @p0 $0x1  }
0x13: {  	[smem:$0x3FB7] =	sst s0;
	s0 =	simm.s32 @!p1 $0x0  }
0x14: {  	s2 =	sld [smem:$0x3F9B];
	s0 =	simm.s32 @p1 $0x1  }
0x15: {  	[smem:$0x3FB8] =	sst s0;
	s0 =	simm.s32 @!p2 $0x0  }
0x16: {  	s3 =	sld [smem:$0x3FDB];
	s0 =	simm.s32 @p2 $0x1  }
0x17: {  	s4 =	simm.s32 $0x1BF5;
	[smem:$0x3FBA] =	sst s0  }
0x18: {  	s0 =	sld [smem:$0x3F9D];
	_ =	swait.ge [sflag:s4], $0x0  }
0x19: {  	s7 =	sld [smem:$0x3F9E]  }
0x1a: {  	s8 =	sadd.s32 $0xFFFFE003, lr  }
0x1b: {  	s9 =	sadd.s32 $0xFFFFFEF7, lr;
	s5 =	simm.s32 $0xFFFFFFFF;
	p2 =	slt.u32 s8, $0xFFFFF086  }
0x1c: {  	p1 =	slt.u32 s9, $0xF7A;
	s5 =	simm.s32 @!p2 $0x0  }
0x1d: {  	s5 =	simm.s32 @p1 $0x1;
	p0 =	seq.s32 s7, s2  }
0x1e: {  	s7 =	smul.u32 @!p0 $0xF7A, s2;
	p2 =	seq.s32 @!p0 s5, $0x0  }
0x1f: {  	s9 =	smul.u32 $0xF7A, s1;
	s8 =	simm.s32 @!p0 $0x1BF5;
	p2 =	por !p2, p0  }
0x20: {  	[sflag:s8] =	ssyncset.s32 @!p0 $0xFFFFF086;
	s6 =	sadd.s32 @!p0 s3, s7;
	s7 =	simm.s32 @!p0 $0x108  }
0x21: {  	s3 =	sadd.s32 s3, s9;
	s6 =	sadd.s32 @!p0 $0x88, s6;
	s7 =	simm.s32 @p2 $0x1082  }
0x22: {  	[simem:s7], [sflag:s8] =	dma.local @!p0 [hbm:s6], $0xF7A  }
0x23: {  	s9 =	sor.u32 $0xD0000000, s2;
	s6 =	simm.s32 $0x108;
	_ =	swait.ge @!p0 [sflag:s8], $0x0  }
0x24: {  	s3 =	sadd.s32 $0x88, s3;
	s6 =	simm.s32 @!p1 $0x1082;
	[sflag:s4] =	ssyncset.s32 $0xFFFFF086  }
0x25: {  	[simem:s6], [sflag:s4] =	dma.local [hbm:s3], $0xF7A  }
0x26: {  	[smem:$0x3F9E] =	sst s1;
	(tag) =	ssettag s2;
	_ =	strace s9  }
0x27: {  	s1 =	sld [smem:$0x3FAE]  }
0x28: {  	s2 =	sld [smem:$0x3FAF]  }
0x29: {  	s4 =	sld [smem:$0x3FB1]  }
0x2a: {  	p0 =	seq.s32 s5, $0x0;
	s5 =	sld [smem:$0x3FB2]  }
0x2b: {  	s6 =	sld [smem:$0x3FB3]  }
0x2c: {  	s7 =	sld [smem:$0x3FB4]  }
0x2d: {  	s3 =	simm.s32 $0x108;
	s8 =	sld [smem:$0x3FB5]  }
0x2e: {  	s3 =	simm.s32 @!p0 $0x1082;
	s9 =	sld [smem:$0x3FB6]  }
0x2f: {  	lr =	sadd.s32 s0, s3;
	s0 =	sld [smem:$0x3FAD]  }
0x30: {  	s3 =	sld [smem:$0x3FB0]  }
0x31: {  	[smem:$0x3FB9] =	sst s10  }
0x32: {  	s10 =	sld [smem:$0x3FB7];
	_ =	sdelay $0x3  }
0x33: {  	p0 =	seq.s32 s10, $0x1;
	s10 =	sld [smem:$0x3FB9];
	_ =	sdelay $0x3  }
0x34: {  	[smem:$0x3FB9] =	sst s10  }
0x35: {  	s10 =	sld [smem:$0x3FB8];
	_ =	sdelay $0x3  }
0x36: {  	p1 =	seq.s32 s10, $0x1;
	s10 =	sld [smem:$0x3FB9];
	_ =	sdelay $0x3  }
0x37: {  	[smem:$0x3FB9] =	sst s10  }
0x38: {  	s10 =	sld [smem:$0x3FBA]  }
0x39: {  	_ = 	snop;
	(pc) =	sbr.ind lr, $3  }
0x3a: {  	_ = 	snop  }
0x3b: {  	_ = 	snop  }
0x3c: {  	p2 =	seq.s32 s10, $0x1;
	s10 =	sld [smem:$0x3FB9]  }
0x3d: {  	_ =	shalt  }
0x3e: {  	_ =	shalt  }
0x3f: {  	_ =	shalt  }
0x40: {  	_ =	shalt  }
0x41: {  	_ =	shalt  }
0x42: {  	_ =	shalt  }
0x43: {  	_ =	shalt  }
0x44: {  	_ =	shalt  }
0x45: {  	_ =	shalt  }
0x46: {  	_ =	shalt  }
0x47: {  	_ =	shalt  }
0x48: {  	_ =	shalt  }
0x49: {  	_ =	shalt  }
0x4a: {  	_ =	shalt  }
0x4b: {  	_ =	shalt  }
0x4c: {  	_ =	shalt  }
0x4d: {  	_ =	shalt  }
0x4e: {  	_ =	shalt  }
0x4f: {  	_ =	shalt  }
0x50: {  	_ =	shalt  }
0x51: {  	_ =	shalt  }
0x52: {  	_ =	shalt  }
0x53: {  	_ =	shalt  }
0x54: {  	_ =	shalt  }
0x55: {  	_ =	shalt  }
0x56: {  	_ =	shalt  }
0x57: {  	_ =	shalt  }
0x58: {  	_ =	shalt  }
0x59: {  	_ =	shalt  }
0x5a: {  	_ =	shalt  }
0x5b: {  	_ =	shalt  }
0x5c: {  	_ =	shalt  }
0x5d: {  	_ =	shalt  }
0x5e: {  	_ =	shalt  }
0x5f: {  	_ =	shalt  }
0x60: {  	_ =	shalt  }
0x61: {  	_ =	shalt  }
0x62: {  	_ =	shalt  }
0x63: {  	_ =	shalt  }
0x64: {  	_ =	shalt  }
0x65: {  	_ =	shalt  }
0x66: {  	_ =	shalt  }
0x67: {  	_ =	shalt  }
0x68: {  	_ =	shalt  }
0x69: {  	_ =	shalt  }
0x6a: {  	_ =	shalt  }
0x6b: {  	_ =	shalt  }
0x6c: {  	_ =	shalt  }
0x6d: {  	_ =	shalt  }
0x6e: {  	_ =	shalt  }
0x6f: {  	_ =	shalt  }
0x70: {  	_ =	shalt  }
0x71: {  	_ =	shalt  }
0x72: {  	_ =	shalt  }
0x73: {  	_ =	shalt  }
0x74: {  	_ =	shalt  }
0x75: {  	_ =	shalt  }
0x76: {  	_ =	shalt  }
0x77: {  	_ =	shalt  }
0x78: {  	_ =	shalt  }
0x79: {  	_ =	shalt  }
0x7a: {  	_ =	shalt  }
0x7b: {  	_ =	shalt  }
0x7c: {  	_ =	shalt  }
0x7d: {  	_ =	shalt  }
0x7e: {  	_ =	shalt  }
0x7f: {  	_ =	shalt  }
0x80: {  	_ =	shalt  }
0x81: {  	_ =	shalt  }
0x82: {  	_ =	shalt  }
0x83: {  	_ =	shalt  }
0x84: {  	_ =	shalt  }
0x85: {  	_ =	shalt  }
0x86: {  	_ =	shalt  }
0x87: {  	_ =	shalt  }
.Lfunc_end0:
.L_simem_size_0:
called_computation_lowered:
.L_overlay_start_0:
0x88: {  	s2 =	sld [smem:$0x3FD9]  }
0x89: {  	s3 =	sld [smem:$0x3FFE];
	_ =	sdelay $0x1  }
0x8a: {  	s1 =	srdreg.scid  }
0x8b: {  	s0 =	sand.u32 $0x1, s1  }
0x8c: {  	s17 =	sshll.u32 s0, $0xA;
	s2 =	sadd.s32 s3, s2  }
0x8d: {  	s2 =	sadd.s32 s2, s17  }
0x8e: {  	[smem:$0x3FC5] =	sst s2  }
0x8f: {  	_ = 	snop  }
0x90: {  	s2 =	sld [smem:$0x3FC8]  }
0x91: {  	s18 =	sld [smem:$0x3FD0];
	(tm) =	ssettm $0x1  }
0x92: {  	s4 =	sld [smem:$0x3FFB];
	_ =	sdelay $0x3  }
0x93: {  	_ =	strace s4  }
0x94: {  	s4 =	sld [smem:$0x3FFC];
	_ =	sdelay $0x3  }
0x95: {  	_ =	strace s4  }
0x96: {  	s4 =	sld [smem:$0x3FFD];
	_ =	sdelay $0x3  }
0x97: {  	_ =	strace s4  }
0x98: {  	_ =	strace $0x8FFFFFFF  }
0x99: {  	s19 =	sld [smem:$0x3FDB];
	_ =	sdelay $0x1  }
0x9a: {  	s5 =	simm.s32 $_scs_section_size  }
0x9b: {  	s6 =	simm.s32 $_size__tile_overlayer_lowered;
	s7 =	simm.s32 $_tile_overlayer_lowered  }
0x9c: {  	s22 =	simm.s32 $0x1BFF;
	s21 =	sshll.u32 s7, $0x1;
	s4 =	sadd.s32 s5, s19  }
0x9d: {  	s8 =	simm.s32 $0x0;
	s20 =	sshll.u32 s6, $0x1;
	s6 =	sadd.s32 s21, s4  }
0x9e: {  	[timem:s8], [sflag:s22] =	dma.local [hbm:s6], s20  }
0x9f: {  	_ =	swait.ge [sflag:s22], s20  }
0xa0: {  	s5 =	ssub.s32 $0x0, s20;
	[sflag:s22] =	ssyncset.done $0x0  }
0xa1: {  	[sflag:s22] =	ssyncadd.s32 s5;
	_ =	sdelay $0x1  }
0xa2: {  	s23 =	simm.s32 $0x1B8B  }
0xa3: {  	_ =	swait.ge [sflag:s23], $0x1  }
0xa4: {  	[sflag:s23] =	ssyncset.done $0x0  }
0xa5: {  	s25 =	simm.s32 $0x1B8E;
	s24 =	sld [smem:$0x3FFE];
	[sflag:s23] =	ssyncadd.s32 $0xFFFFFFFF  }
0xa6: {  	s26 =	simm.s32 $execute0_lowered;
	[smem:$0x3FD2] =	sst s25  }
0xa7: {  	s6 =	sshll.u32 s26, $0x1;
	_ =	strace $0x80000046;
	[dreg:$0x1] =	wrdreg $0xFFFFFFFF  }
0xa8: {  	s28 =	simm.s32 $_size_execute0_lowered;
	s4 =	sadd.s32 s4, s6;
	[dreg:$0x0] =	wrdreg $0x0  }
0xa9: {  	s6 =	sshll.u32 s28, $0x1;
	[dreg:$0x2] =	wrdreg s4  }
0xaa: {  	[dreg:$0x3] =	wrdreg s6  }
0xab: {  	[dreg:$0x4] =	wrdreg $0xC0  }
0xac: {  	_ =	task [dreg:s8], $0x5FFFF  }
0xad: {  	[dreg:$0x1] =	wrdreg $0xFFFFFFFF  }
0xae: {  	[dreg:$0x0] =	wrdreg $0x60  }
0xaf: {  	[dreg:$0x2] =	wrdreg s18  }
0xb0: {  	[dreg:$0x3] =	wrdreg s2  }
0xb1: {  	[dreg:$0x4] =	wrdreg s24  }
0xb2: {  	[dreg:$0x5] =	wrdreg $0x9  }
0xb3: {  	_ =	task.clear_ibuf [dreg:s8], $0x6FFFF;
	_ =	strace $0x90000046  }
0xb4: {  	s29 =	simm.s32 $0x9;
	_ =	strace $0x80000048  }
0xb5: {  	_ =	swait.ge [sflag:s29], $0x1  }
0xb6: {  	[sflag:s29] =	ssyncadd.s32 $0xFFFFFFFF  }
0xb7: {  	_ =	strace $0x90000048  }
0xb8: {  	_ =	sfence  }
0xb9: {  	s30 =	sld [smem:$0x0];
	_ =	sdelay $0x2  }
0xba: {  	s31 =	sshll.u32 s1, $0xD;
	s1 =	sshrl.u32 s1, $0x2  }
0xbb: {  	s3 =	sand.u32 $0x4000, s31;
	s1 =	sadd.s32 s1, s30  }
0xbc: {  	s0 =	sor.u32 s3, s0;
	s1 =	sshll.u32 s1, $0x11  }
0xbd: {  	s0 =	sor.u32 s1, s0  }
0xbe: {  	s0 =	sadd.s32 $0x8F2B, s0  }
0xbf: {  	[sflag:s0] =	ssyncadd.remote.s32 $0x1  }
0xc0: {  	_ =	sfence.sel $0xFFFF  }
0xc1: {  	[dreg:$0x0] =	wrdreg $0xFFFFFFFF;
	(pc) =	sbr.abs _section_cstart, $3  }
0xc2: {  	[dreg:$0x1] =	wrdreg $0xFFFFFFFF  }
0xc3: {  	_ =	task.clear_ibuf [dreg:s8], $0x2FFFF;
	_ =	strace $0x9FFFFFFF  }
0xc4: {  	(tm) =	ssettm $0x7FFFFFFF  }
0xc5: {  	_ =	shalt  }
tec
execute0_lowered:
.L_overlay_start_1:
0x0: {  	(tag) =	ssettag $0x1  }
0x1: {  	s1 =	srdreg.scid;
	s0 =	stileid.u32  }
0x2: {  	s5 =	sand.u32 $0x1, s1;
	s10 =	sshll.u32 s0, $0x1  }
0x3: {  	s6 =	sor.u32 s5, s10  }
0x4: {  	s4 =	smul.u32 $0x140, s6  }
0x5: {  	v0 =	vlaneseq.u32  }
0x6: {  	s11 =	sor.u32 $0x10, s4;
	v1 =	vor.u32 s4, v0  }
0x7: {  	v2 =	vor.u32 s11, v0;
	v1 =	vmin.u32 v1, $0x270F  }
0x8: {  	vm0 =	vlt.s32 v2, $0x270F;
	v3 =	vmul.u32 $0x3, v1  }
0x9: {  	v1 =	vnsel vm0, $0x270F, v2  }
0xa: {  	v4 =	vmul.u32 $0x3, v1;
	v1 =	vadd.s32 $0x1, v3  }
0xb: {  	s12 =	sor.u32 $0x20, s4;
	[tilespmem:$0x1FE20] =	vst v1;
	v1 =	vadd.s32 $0x2, v3  }
0xc: {  	s13 =	sor.u32 $0x30, s4;
	[tilespmem:$0x1FE40] =	vst v1;
	v1 =	vor.u32 s12, v0;
	v2 =	vadd.s32 $0x1, v4  }
0xd: {  	s14 =	sadd.s32 $0x40, s4;
	[tilespmem:$0x1FE50] =	vst v2;
	vm0 =	vlt.s32 v1, $0x270F;
	v2 =	vor.u32 s13, v0  }
0xe: {  	[tilespmem:$0x1FE30] =	vst v3;
	v3 =	vor.u32 s14, v0;
	v1 =	vnsel vm0, $0x270F, v1;
	vm0 =	vlt.s32 v2, $0x270F  }
0xf: {  	v5 =	vmul.u32 $0x3, v1;
	v1 =	vnsel vm0, $0x270F, v2;
	v2 =	vadd.s32 $0x2, v4  }
0x10: {  	vm0 =	vlt.s32 v3, $0x270F;
	[tilespmem:$0x1FE70] =	vst v2;
	v2 =	vmul.u32 $0x3, v1  }
0x11: {  	v1 =	vnsel vm0, $0x270F, v3  }
0x12: {  	v61 =	vmul.u32 $0x3, v1;
	v1 =	vadd.s32 $0x1, v2;
	[tilespmem:$0x1FEC0] =	vst v2  }
0x13: {  	s15 =	sadd.s32 $0x50, s4;
	[tilespmem:$0x1FEB0] =	vst v1;
	v1 =	vadd.s32 $0x2, v2  }
0x14: {  	s16 =	sadd.s32 $0x60, s4;
	v2 =	vadd.s32 $0x1, v61;
	[tilespmem:$0x1FED0] =	vst v1;
	v1 =	vor.u32 s15, v0  }
0x15: {  	v3 =	vadd.s32 $0x1, v5;
	[tilespmem:$0x1FEE0] =	vst v2;
	v2 =	vor.u32 s16, v0;
	vm0 =	vlt.s32 v1, $0x270F  }
0x16: {  	s17 =	sadd.s32 $0x70, s4;
	[tilespmem:$0x1FE80] =	vst v3;
	v3 =	vadd.s32 $0x2, v5;
	v1 =	vnsel vm0, $0x270F, v1;
	vm0 =	vlt.s32 v2, $0x270F  }
0x17: {  	[tilespmem:$0x1FEA0] =	vst v3;
	v3 =	vor.u32 s17, v0;
	v15 =	vmul.u32 $0x3, v1;
	v1 =	vnsel vm0, $0x270F, v2  }
0x18: {  	vm0 =	vlt.s32 v3, $0x270F;
	v2 =	vadd.s32 $0x2, v61;
	v17 =	vmul.u32 $0x3, v1  }
0x19: {  	[tilespmem:$0x1FF00] =	vst v2;
	v1 =	vnsel vm0, $0x270F, v3;
	v2 =	vadd.s32 $0x1, v15  }
0x1a: {  	v20 =	vmul.u32 $0x3, v1;
	[tilespmem:$0x1FF10] =	vst v2;
	v1 =	vadd.s32 $0x1, v17  }
0x1b: {  	s18 =	sadd.s32 $0x80, s4;
	[tilespmem:$0x1FF30] =	vst v1;
	v1 =	vadd.s32 $0x2, v17  }
0x1c: {  	v2 =	vadd.s32 $0x2, v15;
	[tilespmem:$0x1FF40] =	vst v1;
	v1 =	vor.u32 s18, v0  }
0x1d: {  	s19 =	sadd.s32 $0x90, s4;
	[tilespmem:$0x1FF20] =	vst v2;
	v2 =	vadd.s32 $0x1, v20;
	vm0 =	vlt.s32 v1, $0x270F  }
0x1e: {  	[tilespmem:$0x1FF50] =	vst v2;
	v2 =	vor.u32 s19, v0;
	v1 =	vnsel vm0, $0x270F, v1  }
0x1f: {  	s20 =	sadd.s32 $0xA0, s4;
	vm0 =	vlt.s32 v2, $0x270F;
	v24 =	vmul.u32 $0x3, v1  }
0x20: {  	[tilespmem:$0x1FE60] =	vst v4;
	v3 =	vor.u32 s20, v0;
	v1 =	vnsel vm0, $0x270F, v2;
	v2 =	vadd.s32 $0x2, v20  }
0x21: {  	s21 =	sadd.s32 $0xB0, s4;
	vm0 =	vlt.s32 v3, $0x270F;
	[tilespmem:$0x1FF60] =	vst v2;
	v26 =	vmul.u32 $0x3, v1;
	v2 =	vadd.s32 $0x1, v24  }
0x22: {  	s22 =	sadd.s32 $0xC0, s4;
	s23 =	sadd.s32 $0xD0, s4;
	s24 =	sadd.s32 $0xE0, s4;
	v1 =	vnsel vm0, $0x270F, v3;
	[tilespmem:$0x1FF70] =	vst v2;
	v2 =	vadd.s32 $0x2, v24  }
0x23: {  	s25 =	sadd.s32 $0xF0, s4;
	s2 =	sadd.s32 $0x100, s4;
	s9 =	sadd.s32 $0x110, s4;
	v29 =	vmul.u32 $0x3, v1;
	v1 =	vadd.s32 $0x1, v26;
	[tilespmem:$0x1FF80] =	vst v2  }
0x24: {  	v62 =	vimm.s32 $0x87654321;
	s26 =	sadd.s32 $0x120, s4;
	s29 =	sshrl.u32 s4, $0x3;
	s4 =	sadd.s32 $0x130, s4;
	[tilespmem:$0x1FF90] =	vst v1;
	v1 =	vadd.s32 $0x2, v26  }
0x25: {  	v63 =	vor.u32 s4, v0;
	v2 =	vadd.s32 $0x1, v29;
	[tilespmem:$0x1FFA0] =	vst v1;
	v1 =	vor.u32 s21, v0  }
0x26: {  	v4 =	vunpack.c.l.s4.s8 v62;
	[tilespmem:$0x1FFB0] =	vst v2;
	v2 =	vor.u32 s22, v0;
	vm0 =	vlt.s32 v1, $0x270F  }
0x27: {  	v62 =	vimm.s32 $0x0;
	v1 =	vnsel vm0, $0x270F, v1;
	vm0 =	vlt.s32 v2, $0x270F  }
0x28: {  	v3 =	vor.u32 s23, v0;
	v33 =	vmul.u32 $0x3, v1;
	v1 =	vnsel vm0, $0x270F, v2  }
0x29: {  	[tilespmem:$0x1FEF0] =	vst v61;
	vm0 =	vlt.s32 v3, $0x270F;
	v2 =	vadd.s32 $0x2, v29;
	v35 =	vmul.u32 $0x3, v1  }
0x2a: {  	v61 =	vimm.s32 $0xFFFFFFFF;
	[tilespmem:$0x1FFC0] =	vst v2;
	v1 =	vnsel vm0, $0x270F, v3;
	v2 =	vadd.s32 $0x1, v33  }
0x2b: {  	v3 =	vor.u32 s2, v0;
	v38 =	vmul.u32 $0x3, v1;
	[tilespmem:$0x1FFD0] =	vst v2;
	v1 =	vadd.s32 $0x1, v35  }
0x2c: {  	v2 =	vadd.s32 $0x2, v33;
	v40 =	vadd.s32 $0x2, v35;
	[tilespmem:$0x1FFF0] =	vst v1;
	v1 =	vor.u32 s24, v0  }
0x2d: {  	[tilespmem:$0x1FFE0] =	vst v2;
	v41 =	vadd.s32 $0x1, v38;
	v2 =	vor.u32 s25, v0;
	vm0 =	vlt.s32 v1, $0x270F  }
0x2e: {  	v43 =	vadd.s32 $0x2, v38;
	v1 =	vnsel vm0, $0x270F, v1;
	vm0 =	vlt.s32 v2, $0x270F  }
0x2f: {  	s7 =	rddreg [dreg:$0x1];
	v42 =	vmul.u32 $0x3, v1;
	v1 =	vnsel vm0, $0x270F, v2;
	vm0 =	vlt.s32 v3, $0x270F  }
0x30: {  	s8 =	rddreg [dreg:$0x2];
	s10 =	smul.u32 $0x500, s6;
	v2 =	vor.u32 s26, v0;
	v44 =	vmul.u32 $0x3, v1;
	v1 =	vnsel vm0, $0x270F, v3  }
0x31: {  	s3 =	simm.s32 $0x0;
	s1 =	rddreg [dreg:$0x0];
	s6 =	smul.u32 $0x1380, s6;
	v3 =	vimm.s32 $0xFFEDCBA9;
	v45 =	vadd.s32 $0x1, v42;
	v46 =	vadd.s32 $0x2, v42  }
0x32: {  	[smem:$0x7FF] =	sst s3;
	s30 =	ssub.s32 $0x2, s5;
	v47 =	vmul.u32 $0x3, v1;
	v1 =	vor.u32 s9, v0;
	v3 =	vunpack.c.l.s4.s8 v3  }
0x33: {  	s31 =	smul.u32 $0x1380, s5;
	s28 =	sadd.s32 s10, s8;
	s6 =	sshrl.u32 s6, $0x2;
	v48 =	vadd.s32 $0x1, v44;
	v49 =	vadd.s32 $0x2, v44;
	vm0 =	vlt.s32 v1, $0x270F  }
0x34: {  	s8 =	sadd.s32 s29, s8;
	s11 =	sshrl.u32 s30, $0x1;
	s4 =	sadd.s32 s7, s6;
	v50 =	vadd.s32 $0x1, v47;
	v1 =	vnsel vm0, $0x270F, v1;
	vm0 =	vlt.s32 v2, $0x270F  }
0x35: {  	s10 =	ssub.s32 s30, s11;
	s5 =	sadd.s32 $0xAE00, s8;
	s6 =	sadd.s32 $0xB300, s8;
	v2 =	vnsel vm0, $0x270F, v2;
	v52 =	vmul.u32 $0x3, v1;
	vm0 =	vlt.s32 v63, $0x270F  }
0x36: {  	s7 =	sadd.s32 $0xB800, s8;
	s8 =	sadd.s32 $0xE00, s28;
	s11 =	simm.s32 $0x7580;
	v53 =	vmul.u32 $0x3, v2;
	v2 =	vunpack.c.0.s8.s32 v3;
	v3 =	vunpack.c.0.s8.s32 v4  }
0x37: {  	s14 =	simm.s32 $0xF000;
	s12 =	smul.u32 $0x2700, s0;
	s13 =	simm.s32 $0x2;
	v51 =	vadd.s32 $0x2, v47;
	v1 =	vnsel vm0, $0x270F, v63;
	vm0 =	vcmask $0x3F3C  }
0x38: {  	[tilespmem:$0x1FE90] =	vst v5;
	s17 =	simm.s32 $0xF280;
	s15 =	simm.s32 $0x3;
	s16 =	simm.s32 $0xF140;
	v54 =	vadd.s32 $0x1, v52;
	v56 =	vmul.u32 $0x3, v1;
	v1 =	vcombine.low v3, v2  }
0x39: {  	s18 =	simm.s32 $0x9E80;
	s19 =	simm.s32 $0x0;
	_ =	strace $0x80000047;
	v55 =	vadd.s32 $0x2, v52;
	v57 =	vadd.s32 $0x1, v53;
	v58 =	vadd.s32 $0x2, v53  }
0x3a: {  	s9 =	smax.u32 s10, $0x1;
	s10 =	sadd.s32 s31, s12;
	s12 =	simm.s32 $0x1;
	v59 =	vadd.s32 $0x1, v56;
	v60 =	vadd.s32 $0x2, v56;
	v63 =	vand.u32 $0xF, v1  }
.LBB2_1:
0x3b: {  	[tilespmem:s3], [sflag:$0x1] =	stream.linear.gather [hbm4b:s1+s3], $0x7580, $0x38;
	[tilespmem:$0xF400] =	vst v63  }
0x3c: {  	s20 =	simm.s32 $0x0;
	s21 =	simm.s32 $0x200  }
0x3d: {  	[tilespmem:s11], [sflag:$0x2] =	stream.linear.gather [hbm4b:s4+s3], $0x2900, $0x38;
	[tilespmem:$0xF400] =	vst v63  }
.LBB2_2:
0x3e: {  	p0 =	sne.s32 s21, $0x9E00;
	[tilespmem:s20+$0x9EF0] =	vst v61  }
0x3f: {  	[tilespmem:s20+$0x9E80] =	vst v61  }
0x40: {  	[tilespmem:s20+$0x9E90] =	vst v61  }
.Ltmp0:
0x41: {  	[tilespmem:s20+$0x9EA0] =	vst v61;
	(pc) =	sbr.rel @p0 .LBB2_2-.Ltmp0, $4  }
0x42: {  	[tilespmem:s20+$0x9EB0] =	vst v61  }
0x43: {  	[tilespmem:s20+$0x9EC0] =	vst v61  }
0x44: {  	[tilespmem:s20+$0x9ED0] =	vst v61  }
0x45: {  	[tilespmem:s20+$0x9EE0] =	vst v61;
	s20 =	sshra.s32 s21, $0x2;
	s21 =	sadd.s32 $0x200, s21  }
0x46: {  	[tilespmem:s20+$0x9EF0] =	vst v61  }
0x47: {  	[tilespmem:s20+$0x9E80] =	vst v61  }
0x48: {  	[tilespmem:s20+$0x9E90] =	vst v61  }
0x49: {  	[tilespmem:s20+$0x9EA0] =	vst v61  }
0x4a: {  	[tilespmem:s20+$0x9EB0] =	vst v61  }
0x4b: {  	[tilespmem:s20+$0x9EC0] =	vst v61  }
0x4c: {  	[tilespmem:s20+$0x9ED0] =	vst v61  }
0x4d: {  	[tilespmem:s20+$0x9EE0] =	vst v61  }
0x4e: {  	[tilespmem:$0xC680] =	vst v61  }
0x4f: {  	_ =	swait.ge [sflag:s12], $0x7580  }
0x50: {  	[sflag:s12] =	ssyncset.done $0x0  }
0x51: {  	[sflag:s12] =	ssyncadd.s32 $0xFFFF8A80  }
0x52: {  	_ =	swait.ge [sflag:s13], $0x2900  }
0x53: {  	v1 =	vld [tilespmem:$0x1FE30];
	_ =	sdelay $0x5  }
0x54: {  	[sflag:s13] =	ssyncset.done $0x0  }
0x55: {  	s20 =	simm.s32 $0x0;
	[sflag:s13] =	ssyncadd.s32 $0xFFFFD700  }
0x56: {  	v1 =	vld.idx.msk [tilespmem:v1+s20+$0x0], $0xffff;
	_ =	sdelay $0x4  }
0x57: {  	[tilespmem:$0xF000] =	vst v1;
	v1 =	vld [tilespmem:$0x1FE20];
	_ =	sdelay $0x7  }
0x58: {  	v1 =	vld.idx.msk [tilespmem:v1+s20+$0x0], $0xffff;
	_ =	sdelay $0x4  }
0x59: {  	[tilespmem:$0xF140] =	vst v1;
	v1 =	vld [tilespmem:$0x1FE40];
	_ =	sdelay $0x7  }
0x5a: {  	v1 =	vld.idx.msk [tilespmem:v1+s20+$0x0], $0xffff;
	_ =	sdelay $0x4  }
0x5b: {  	[tilespmem:$0xF280] =	vst v1;
	v1 =	vld [tilespmem:$0x1FE60];
	_ =	sdelay $0x7  }
0x5c: {  	v1 =	vld.idx.msk [tilespmem:v1+s20+$0x0], $0xffff;
	_ =	sdelay $0x4  }
0x5d: {  	[tilespmem:$0xF010] =	vst v1;
	v1 =	vld [tilespmem:$0x1FE50];
	_ =	sdelay $0x7  }
0x5e: {  	v1 =	vld.idx.msk [tilespmem:v1+s20+$0x0], $0xffff;
	_ =	sdelay $0x4  }
0x5f: {  	[tilespmem:$0xF150] =	vst v1;
	v1 =	vld [tilespmem:$0x1FE70];
	_ =	sdelay $0x7  }
0x60: {  	v1 =	vld.idx.msk [tilespmem:v1+s20+$0x0], $0xffff;
	_ =	sdelay $0x4  }
0x61: {  	[tilespmem:$0xF290] =	vst v1;
	v1 =	vld [tilespmem:$0x1FE90];
	_ =	sdelay $0x7  }
0x62: {  	v1 =	vld.idx.msk [tilespmem:v1+s20+$0x0], $0xffff;
	_ =	sdelay $0x4  }
0x63: {  	[tilespmem:$0xF020] =	vst v1;
	v1 =	vld [tilespmem:$0x1FE80];
	_ =	sdelay $0x7  }
0x64: {  	v1 =	vld.idx.msk [tilespmem:v1+s20+$0x0], $0xffff;
	_ =	sdelay $0x4  }
0x65: {  	[tilespmem:$0xF160] =	vst v1;
	v1 =	vld [tilespmem:$0x1FEA0];
	_ =	sdelay $0x7  }
0x66: {  	v1 =	vld.idx.msk [tilespmem:v1+s20+$0x0], $0xffff;
	_ =	sdelay $0x4  }
0x67: {  	[tilespmem:$0xF2A0] =	vst v1;
	v1 =	vld [tilespmem:$0x1FEC0];
	_ =	sdelay $0x7  }
0x68: {  	v1 =	vld.idx.msk [tilespmem:v1+s20+$0x0], $0xffff;
	_ =	sdelay $0x4  }
0x69: {  	[tilespmem:$0xF030] =	vst v1;
	v1 =	vld [tilespmem:$0x1FEB0];
	_ =	sdelay $0x7  }
0x6a: {  	v1 =	vld.idx.msk [tilespmem:v1+s20+$0x0], $0xffff;
	_ =	sdelay $0x4  }
0x6b: {  	[tilespmem:$0xF170] =	vst v1;
	v1 =	vld [tilespmem:$0x1FED0];
	_ =	sdelay $0x7  }
0x6c: {  	v1 =	vld.idx.msk [tilespmem:v1+s20+$0x0], $0xffff;
	_ =	sdelay $0x4  }
0x6d: {  	[tilespmem:$0xF2B0] =	vst v1;
	v1 =	vld [tilespmem:$0x1FEF0];
	_ =	sdelay $0x7  }
0x6e: {  	v1 =	vld.idx.msk [tilespmem:v1+s20+$0x0], $0xffff;
	_ =	sdelay $0x4  }
0x6f: {  	[tilespmem:$0xF040] =	vst v1;
	v1 =	vld [tilespmem:$0x1FEE0];
	_ =	sdelay $0x7  }
0x70: {  	v1 =	vld.idx.msk [tilespmem:v1+s20+$0x0], $0xffff;
	_ =	sdelay $0x4  }
0x71: {  	[tilespmem:$0xF180] =	vst v1;
	v1 =	vld [tilespmem:$0x1FF00];
	_ =	sdelay $0x7  }
0x72: {  	v1 =	vld.idx.msk [tilespmem:v1+s20+$0x0], $0xffff;
	_ =	sdelay $0x4  }
0x73: {  	[tilespmem:$0xF2C0] =	vst v1  }
0x74: {  	v1 =	vld.idx.msk [tilespmem:v15+s20+$0x0], $0xffff;
	_ =	sdelay $0x4  }
0x75: {  	[tilespmem:$0xF050] =	vst v1;
	v1 =	vld [tilespmem:$0x1FF10];
	_ =	sdelay $0x7  }
0x76: {  	v1 =	vld.idx.msk [tilespmem:v1+s20+$0x0], $0xffff;
	_ =	sdelay $0x4  }
0x77: {  	[tilespmem:$0xF190] =	vst v1;
	v1 =	vld [tilespmem:$0x1FF20];
	_ =	sdelay $0x7  }
0x78: {  	v1 =	vld.idx.msk [tilespmem:v1+s20+$0x0], $0xffff;
	_ =	sdelay $0x4  }
0x79: {  	[tilespmem:$0xF2D0] =	vst v1  }
0x7a: {  	v1 =	vld.idx.msk [tilespmem:v17+s20+$0x0], $0xffff;
	_ =	sdelay $0x4  }
0x7b: {  	[tilespmem:$0xF060] =	vst v1;
	v1 =	vld [tilespmem:$0x1FF30];
	_ =	sdelay $0x7  }
0x7c: {  	v1 =	vld.idx.msk [tilespmem:v1+s20+$0x0], $0xffff;
	_ =	sdelay $0x4  }
0x7d: {  	[tilespmem:$0xF1A0] =	vst v1;
	v1 =	vld [tilespmem:$0x1FF40];
	_ =	sdelay $0x7  }
0x7e: {  	v1 =	vld.idx.msk [tilespmem:v1+s20+$0x0], $0xffff;
	_ =	sdelay $0x4  }
0x7f: {  	[tilespmem:$0xF2E0] =	vst v1  }
0x80: {  	v1 =	vld.idx.msk [tilespmem:v20+s20+$0x0], $0xffff;
	_ =	sdelay $0x4  }
0x81: {  	[tilespmem:$0xF070] =	vst v1;
	v1 =	vld [tilespmem:$0x1FF50];
	_ =	sdelay $0x7  }
0x82: {  	v1 =	vld.idx.msk [tilespmem:v1+s20+$0x0], $0xffff;
	_ =	sdelay $0x4  }
0x83: {  	[tilespmem:$0xF1B0] =	vst v1;
	v1 =	vld [tilespmem:$0x1FF60];
	_ =	sdelay $0x7  }
0x84: {  	v1 =	vld.idx.msk [tilespmem:v1+s20+$0x0], $0xffff;
	_ =	sdelay $0x4  }
0x85: {  	[tilespmem:$0xF2F0] =	vst v1  }
0x86: {  	v1 =	vld.idx.msk [tilespmem:v24+s20+$0x0], $0xffff;
	_ =	sdelay $0x4  }
0x87: {  	[tilespmem:$0xF080] =	vst v1;
	v1 =	vld [tilespmem:$0x1FF70];
	_ =	sdelay $0x7  }
0x88: {  	v1 =	vld.idx.msk [tilespmem:v1+s20+$0x0], $0xffff;
	_ =	sdelay $0x4  }
0x89: {  	[tilespmem:$0xF1C0] =	vst v1;
	v1 =	vld [tilespmem:$0x1FF80];
	_ =	sdelay $0x7  }
0x8a: {  	v1 =	vld.idx.msk [tilespmem:v1+s20+$0x0], $0xffff;
	_ =	sdelay $0x4  }
0x8b: {  	[tilespmem:$0xF300] =	vst v1  }
0x8c: {  	v1 =	vld.idx.msk [tilespmem:v26+s20+$0x0], $0xffff;
	_ =	sdelay $0x4  }
0x8d: {  	[tilespmem:$0xF090] =	vst v1;
	v1 =	vld [tilespmem:$0x1FF90];
	_ =	sdelay $0x7  }
0x8e: {  	v1 =	vld.idx.msk [tilespmem:v1+s20+$0x0], $0xffff;
	_ =	sdelay $0x4  }
0x8f: {  	[tilespmem:$0xF1D0] =	vst v1;
	v1 =	vld [tilespmem:$0x1FFA0];
	_ =	sdelay $0x7  }
0x90: {  	v1 =	vld.idx.msk [tilespmem:v1+s20+$0x0], $0xffff;
	_ =	sdelay $0x4  }
0x91: {  	[tilespmem:$0xF310] =	vst v1  }
0x92: {  	v1 =	vld.idx.msk [tilespmem:v29+s20+$0x0], $0xffff;
	_ =	sdelay $0x4  }
0x93: {  	[tilespmem:$0xF0A0] =	vst v1;
	v1 =	vld [tilespmem:$0x1FFB0];
	_ =	sdelay $0x7  }
0x94: {  	v1 =	vld.idx.msk [tilespmem:v1+s20+$0x0], $0xffff;
	_ =	sdelay $0x4  }
0x95: {  	[tilespmem:$0xF1E0] =	vst v1;
	v1 =	vld [tilespmem:$0x1FFC0];
	_ =	sdelay $0x7  }
0x96: {  	v1 =	vld.idx.msk [tilespmem:v1+s20+$0x0], $0xffff;
	_ =	sdelay $0x4  }
0x97: {  	[tilespmem:$0xF320] =	vst v1  }
0x98: {  	v1 =	vld.idx.msk [tilespmem:v33+s20+$0x0], $0xffff;
	_ =	sdelay $0x4  }
0x99: {  	[tilespmem:$0xF0B0] =	vst v1;
	v1 =	vld [tilespmem:$0x1FFD0];
	_ =	sdelay $0x7  }
0x9a: {  	v1 =	vld.idx.msk [tilespmem:v1+s20+$0x0], $0xffff;
	_ =	sdelay $0x4  }
0x9b: {  	[tilespmem:$0xF1F0] =	vst v1;
	v1 =	vld [tilespmem:$0x1FFE0];
	_ =	sdelay $0x7  }
0x9c: {  	v1 =	vld.idx.msk [tilespmem:v1+s20+$0x0], $0xffff;
	_ =	sdelay $0x4  }
0x9d: {  	[tilespmem:$0xF330] =	vst v1  }
0x9e: {  	v1 =	vld.idx.msk [tilespmem:v35+s20+$0x0], $0xffff;
	_ =	sdelay $0x4  }
0x9f: {  	[tilespmem:$0xF0C0] =	vst v1;
	v1 =	vld [tilespmem:$0x1FFF0];
	_ =	sdelay $0x7  }
0xa0: {  	v1 =	vld.idx.msk [tilespmem:v1+s20+$0x0], $0xffff;
	_ =	sdelay $0x4  }
0xa1: {  	[tilespmem:$0xF200] =	vst v1  }
0xa2: {  	v1 =	vld.idx.msk [tilespmem:v40+s20+$0x0], $0xffff;
	_ =	sdelay $0x4  }
0xa3: {  	[tilespmem:$0xF340] =	vst v1  }
0xa4: {  	v1 =	vld.idx.msk [tilespmem:v38+s20+$0x0], $0xffff;
	_ =	sdelay $0x4  }
0xa5: {  	[tilespmem:$0xF0D0] =	vst v1  }
0xa6: {  	v1 =	vld.idx.msk [tilespmem:v41+s20+$0x0], $0xffff;
	_ =	sdelay $0x4  }
0xa7: {  	[tilespmem:$0xF210] =	vst v1  }
0xa8: {  	v1 =	vld.idx.msk [tilespmem:v43+s20+$0x0], $0xffff;
	_ =	sdelay $0x4  }
0xa9: {  	[tilespmem:$0xF350] =	vst v1  }
0xaa: {  	v1 =	vld.idx.msk [tilespmem:v42+s20+$0x0], $0xffff;
	_ =	sdelay $0x4  }
0xab: {  	[tilespmem:$0xF0E0] =	vst v1  }
0xac: {  	v1 =	vld.idx.msk [tilespmem:v45+s20+$0x0], $0xffff;
	_ =	sdelay $0x4  }
0xad: {  	[tilespmem:$0xF220] =	vst v1  }
0xae: {  	v1 =	vld.idx.msk [tilespmem:v46+s20+$0x0], $0xffff;
	_ =	sdelay $0x4  }
0xaf: {  	[tilespmem:$0xF360] =	vst v1  }
0xb0: {  	v1 =	vld.idx.msk [tilespmem:v44+s20+$0x0], $0xffff;
	_ =	sdelay $0x4  }
0xb1: {  	[tilespmem:$0xF0F0] =	vst v1  }
0xb2: {  	v1 =	vld.idx.msk [tilespmem:v48+s20+$0x0], $0xffff;
	_ =	sdelay $0x4  }
0xb3: {  	[tilespmem:$0xF230] =	vst v1  }
0xb4: {  	v1 =	vld.idx.msk [tilespmem:v49+s20+$0x0], $0xffff;
	_ =	sdelay $0x4  }
0xb5: {  	[tilespmem:$0xF370] =	vst v1  }
0xb6: {  	v1 =	vld.idx.msk [tilespmem:v47+s20+$0x0], $0xffff;
	_ =	sdelay $0x4  }
0xb7: {  	[tilespmem:$0xF100] =	vst v1  }
0xb8: {  	v1 =	vld.idx.msk [tilespmem:v50+s20+$0x0], $0xffff;
	_ =	sdelay $0x4  }
0xb9: {  	[tilespmem:$0xF240] =	vst v1  }
0xba: {  	v1 =	vld.idx.msk [tilespmem:v51+s20+$0x0], $0xffff;
	_ =	sdelay $0x4  }
0xbb: {  	[tilespmem:$0xF380] =	vst v1  }
0xbc: {  	v1 =	vld.idx.msk [tilespmem:v52+s20+$0x0], $0xffff;
	_ =	sdelay $0x4  }
0xbd: {  	[tilespmem:$0xF110] =	vst v1  }
0xbe: {  	v1 =	vld.idx.msk [tilespmem:v54+s20+$0x0], $0xffff;
	_ =	sdelay $0x4  }
0xbf: {  	[tilespmem:$0xF250] =	vst v1  }
0xc0: {  	v1 =	vld.idx.msk [tilespmem:v55+s20+$0x0], $0xffff;
	_ =	sdelay $0x4  }
0xc1: {  	[tilespmem:$0xF390] =	vst v1  }
0xc2: {  	v1 =	vld.idx.msk [tilespmem:v53+s20+$0x0], $0xffff;
	_ =	sdelay $0x4  }
0xc3: {  	[tilespmem:$0xF120] =	vst v1  }
0xc4: {  	v1 =	vld.idx.msk [tilespmem:v57+s20+$0x0], $0xffff;
	_ =	sdelay $0x4  }
0xc5: {  	[tilespmem:$0xF260] =	vst v1  }
0xc6: {  	v1 =	vld.idx.msk [tilespmem:v58+s20+$0x0], $0xffff;
	_ =	sdelay $0x4  }
0xc7: {  	[tilespmem:$0xF3A0] =	vst v1  }
0xc8: {  	v1 =	vld.idx.msk [tilespmem:v56+s20+$0x0], $0xffff;
	_ =	sdelay $0x4  }
0xc9: {  	[tilespmem:$0xF130] =	vst v1  }
0xca: {  	v1 =	vld.idx.msk [tilespmem:v59+s20+$0x0], $0xffff;
	_ =	sdelay $0x4  }
0xcb: {  	[tilespmem:$0xF270] =	vst v1  }
0xcc: {  	v1 =	vld.idx.msk [tilespmem:v60+s20+$0x0], $0xffff;
	_ =	sdelay $0x4  }
0xcd: {  	[tilespmem:$0xF3B0] =	vst v1  }
0xce: {  	[hbm4b:s5+s20] =	stream.linear.scatter [tilespmem:s14], [sflag:$0x3], $0x140, $0x38;
	[tilespmem:$0xF400] =	vst v63  }
0xcf: {  	_ =	swait.ge [sflag:s15], $0x140  }
0xd0: {  	[sflag:s15] =	ssyncset.done $0x0  }
0xd1: {  	[sflag:s15] =	ssyncadd.s32 $0xFFFFFEC0  }
0xd2: {  	[hbm4b:s6+s20] =	stream.linear.scatter [tilespmem:s16], [sflag:$0x3], $0x140, $0x38;
	[tilespmem:$0xF400] =	vst v63  }
0xd3: {  	_ =	swait.ge [sflag:s15], $0x140  }
0xd4: {  	[sflag:s15] =	ssyncset.done $0x0  }
0xd5: {  	[sflag:s15] =	ssyncadd.s32 $0xFFFFFEC0  }
0xd6: {  	[hbm4b:s7+s20] =	stream.linear.scatter [tilespmem:s17], [sflag:$0x3], $0x140, $0x38;
	[tilespmem:$0xF400] =	vst v63  }
0xd7: {  	s21 =	simm.s32 $0x30;
	s22 =	sand.u32 $0x3F00, s20;
	_ =	swait.ge [sflag:s15], $0x140  }
0xd8: {  	s21 =	sand.u32 $0x70, s21;
	s22 =	sadd.s32 $0x7580, s22;
	[sflag:s15] =	ssyncset.done $0x0  }
0xd9: {  	s24 =	simm.s32 $0x10;
	s21 =	sor.u32 s21, s22;
	[sflag:s15] =	ssyncadd.s32 $0xFFFFFEC0  }
0xda: {  	s24 =	sand.u32 $0x50, s24;
	v1 =	vld [tilespmem:s21+$0x0]  }
0xdb: {  	s24 =	sor.u32 s24, s22  }
0xdc: {  	s23 =	simm.s32 $0x0;
	v3 =	vld [tilespmem:s24+$0x0]  }
0xdd: {  	s25 =	simm.s32 $0x20;
	s23 =	sand.u32 $0x40, s23  }
0xde: {  	s25 =	sand.u32 $0x60, s25;
	s23 =	sor.u32 s23, s22  }
0xdf: {  	s22 =	sor.u32 s25, s22;
	v2 =	vld [tilespmem:s23+$0x0];
	v1 =	vmul.u32 $0x3, v1  }
0xe0: {  	v5 =	vld [tilespmem:s22+$0x0]  }
0xe1: {  	v7 =	vld [tilespmem:s23+$0x80];
	v10 =	vmul.u32 $0x3, v3;
	v4 =	vadd.s32 $0x1, v1  }
0xe2: {  	v9 =	vld [tilespmem:s24+$0x80];
	v6 =	vadd.s32 $0x2, v1  }
0xe3: {  	v12 =	vld [tilespmem:s22+$0x80];
	v14 =	vadd.s32 $0x1, v10  }
0xe4: {  	v18 =	vld [tilespmem:s21+$0x80];
	v2 =	vmul.u32 $0x3, v2;
	v16 =	vadd.s32 $0x2, v10  }
0xe5: {  	v1 =	vld.idx.msk [tilespmem:v1+s20+$0x0], $0xffff  }
0xe6: {  	v3 =	vadd.s32 $0x1, v2;
	v4 =	vld.idx.msk [tilespmem:v4+s20+$0x0], $0xffff  }
0xe7: {  	v13 =	vadd.s32 $0x2, v2;
	v6 =	vld.idx.msk [tilespmem:v6+s20+$0x0], $0xffff  }
0xe8: {  	v14 =	vld.idx.msk [tilespmem:v14+s20+$0x0], $0xffff  }
0xe9: {  	v5 =	vmul.u32 $0x3, v5;
	v16 =	vld.idx.msk [tilespmem:v16+s20+$0x0], $0xffff  }
0xea: {  	s22 =	sadd.s32 $0x30, s10;
	v10 =	vld.idx.msk [tilespmem:v10+s20+$0x0], $0xffff  }
0xeb: {  	s0 =	simm.s32 $0x80;
	v23 =	vmov s22;
	v18 =	vshll.u32 v18, $0x4;
	v19 =	vadd.s32 $0x1, v5;
	v21 =	vld.idx.msk [tilespmem:v3+s20+$0x0], $0xffff  }
0xec: {  	s2 =	simm.s32 $0x70;
	s21 =	sand.u32 $0x3F00, s0;
	v22 =	vadd.s32 $0x2, v5;
	v13 =	vld.idx.msk [tilespmem:v13+s20+$0x0], $0xffff;
	v3 =	vmul.u32 $0x2, v0;
	v6 =	vmax.f32 v4, v6  }
0xed: {  	s25 =	sand.u32 $0x70, s2;
	s24 =	sadd.s32 $0x7580, s21;
	v4 =	vor.u32 $0x80000000, v0;
	vm1 =	vgt.f32 v6, v1;
	v1 =	vshll.u32 v23, $0x1  }
0xee: {  	s21 =	sor.u32 s25, s24;
	v2 =	vld.idx.msk [tilespmem:v2+s20+$0x0], $0xffff;
	v14 =	vmax.f32 v14, v16;
	v6 =	vsel vm1, $0x1, v62;
	v1 =	vor.u32 v3, v1  }
0xef: {  	v23 =	vld [tilespmem:s21+$0x0];
	vm2 =	vgt.f32 v14, v10;
	v1 =	vor.u32 v6, v1;
	v6 =	vxor.u32 v4, v18  }
0xf0: {  	s26 =	simm.s32 $0x40;
	s0 =	sadd.s32 $0xFFFFFFD0, s22;
	v19 =	vld.idx.msk [tilespmem:v19+s20+$0x0], $0xffff;
	v14 =	vsel vm2, $0x1, v62;
	(xrf1) =	vsort.ascd.msk.u32 $0xffff, v6, v1;
	v1 =	vshll.u32 v7, $0x4;
	v6 =	vshll.u32 v9, $0x4  }
0xf1: {  	s23 =	sand.u32 $0x40, s26;
	s26 =	sadd.s32 $0xFFFFFFE0, s22;
	s22 =	sadd.s32 $0xFFFFFFF0, s22;
	v18 =	vld.idx.msk [tilespmem:v22+s20+$0x0], $0xffff;
	v7 =	vshll.u32 v12, $0x4;
	v9 =	vmov s0;
	v12 =	vmax.f32 v21, v13  }
0xf2: {  	s23 =	sor.u32 s23, s24;
	v5 =	vld.idx.msk [tilespmem:v5+s20+$0x0], $0xffff;
	v13 =	vmov s26;
	v21 =	vmov s22;
	v9 =	vshll.u32 v9, $0x1  }
0xf3: {  	s2 =	simm.s32 $0x50;
	v22 =	vld [tilespmem:s23+$0x0];
	v13 =	vshll.u32 v13, $0x1;
	v21 =	vshll.u32 v21, $0x1;
	v1 =	vxor.u32 v4, v1  }
0xf4: {  	s25 =	sand.u32 $0x50, s2;
	v6 =	vxor.u32 v4, v6;
	vm1 =	vgt.f32 v12, v2;
	v23 =	vmul.u32 $0x3, v23  }
0xf5: {  	s25 =	sor.u32 s25, s24;
	s0 =	simm.s32 $0x60;
	v9 =	vor.u32 v3, v9;
	v13 =	vor.u32 v3, v13;
	v21 =	vor.u32 v3, v21  }
0xf6: {  	v25 =	vld [tilespmem:s25+$0x0];
	s22 =	sand.u32 $0x60, s0;
	v12 =	vsel vm1, $0x1, v62;
	v16 =	vadd.s32 $0x1, v23;
	v18 =	vmax.f32 v19, v18  }
0xf7: {  	v2 =	vld [tilespmem:s23+$0x80];
	s22 =	sor.u32 s22, s24;
	v27 =	vadd.s32 $0x2, v23;
	vm1 =	vgt.f32 v18, v5;
	v5 =	vor.u32 v12, v9  }
0xf8: {  	v13 =	vor.u32 v14, v13;
	v19 =	vld [tilespmem:s22+$0x0];
	v10 =	vmul.u32 $0x3, v22;
	v14 =	vsel vm1, $0x1, v62;
	(xrf1) =	vsort.ascd.msk.u32 $0xffff, v1, v5  }
0xf9: {  	v7 =	vxor.u32 v4, v7;
	v22 =	vld [tilespmem:s25+$0x80];
	v5 =	vor.u32 v14, v21;
	(xrf1) =	vsort.ascd.msk.u32 $0xffff, v6, v13  }
0xfa: {  	v9 =	vadd.s32 $0x1, v10;
	(xrf1) =	vsort.ascd.msk.u32 $0xffff, v7, v5;
	v5 =	vld [tilespmem:s21+$0x80]  }
0xfb: {  	v12 =	vld.idx.msk [tilespmem:v16+s20+$0x0], $0xffff  }
0xfc: {  	s2 =	simm.s32 $0x100;
	v6 =	vadd.s32 $0x2, v10;
	v16 =	vmul.u32 $0x3, v25;
	v1 =	vld.idx.msk [tilespmem:v27+s20+$0x0], $0xffff  }
0xfd: {  	s23 =	sand.u32 $0x3F00, s2;
	v13 =	vld.idx.msk [tilespmem:v23+s20+$0x0], $0xffff;
	s21 =	simm.s32 $0xB0  }
0xfe: {  	s23 =	sadd.s32 $0x7580, s23;
	v7 =	vld [tilespmem:s22+$0x80];
	v18 =	vmul.u32 $0x3, v19;
	s24 =	sand.u32 $0x70, s21;
	v14 =	vadd.s32 $0x1, v16  }
0xff: {  	v2 =	vshll.u32 v2, $0x4;
	s22 =	sor.u32 s24, s23;
	v19 =	vadd.s32 $0x2, v16;
	v9 =	vld.idx.msk [tilespmem:v9+s20+$0x0], $0xffff  }
0x100: {  	s25 =	sadd.s32 $0x70, s10;
	v2 =	vxor.u32 v4, v2;
	v25 =	vadd.s32 $0x1, v18;
	v27 =	vadd.s32 $0x2, v18;
	v28 =	vld [tilespmem:s22+$0x0]  }
0x101: {  	v6 =	vld.idx.msk [tilespmem:v6+s20+$0x0], $0xffff;
	v5 =	vshll.u32 v5, $0x4;
	v1 =	vmax.f32 v12, v1;
	v12 =	vmov s25  }
0x102: {  	v10 =	vld.idx.msk [tilespmem:v10+s20+$0x0], $0xffff;
	v21, v23, _ =	vpop (xrf1);
	v5 =	vxor.u32 v4, v5;
	vm1 =	vgt.f32 v1, v13;
	v1 =	vshll.u32 v12, $0x1  }
0x103: {  	v21 =	vshrl.u32 v21, $0x4;
	v12 =	vld.idx.msk [tilespmem:v14+s20+$0x0], $0xffff;
	v13 =	vsel vm1, $0x1, v62;
	v1 =	vor.u32 v3, v1  }
0x104: {  	s24 =	sadd.s32 $0xFFFFFFF0, s25;
	v21 =	vxor.u32 $0x8000000, v21;
	v14 =	vld.idx.msk [tilespmem:v19+s20+$0x0], $0xffff;
	v19 =	vshll.u32 v7, $0x4;
	v1 =	vor.u32 v13, v1  }
0x105: {  	s0 =	sadd.s32 $0xFFFFFFE0, s25;
	v7 =	vld.idx.msk [tilespmem:v25+s20+$0x0], $0xffff;
	v25 =	vmov s24;
	v30 =	vperm.xlane v21, v63;
	v13 =	vshll.u32 v22, $0x4;
	(xrf1) =	vsort.ascd.msk.u32 $0xffff, v5, v1  }
0x106: {  	s26 =	sadd.s32 $0xFFFFFFD0, s25;
	v22 =	vmul.u32 $0x3, v28;
	v6 =	vmax.f32 v9, v6;
	v9 =	vmov s0  }
0x107: {  	s2 =	simm.s32 $0x90;
	v16 =	vld.idx.msk [tilespmem:v16+s20+$0x0], $0xffff;
	s0 =	simm.s32 $0x80;
	v25 =	vshll.u32 v25, $0x1;
	v19 =	vxor.u32 v4, v19;
	v5 =	vmov s26  }
0x108: {  	s25 =	sand.u32 $0x50, s2;
	s2 =	simm.s32 $0xA0;
	v1 =	vld.idx.msk [tilespmem:v27+s20+$0x0], $0xffff;
	v9 =	vshll.u32 v9, $0x1;
	s24 =	sand.u32 $0x40, s0;
	v13 =	vxor.u32 v4, v13;
	v27 =	vadd.s32 $0x1, v22  }
0x109: {  	v18 =	vld.idx.msk [tilespmem:v18+s20+$0x0], $0xffff;
	s26 =	sand.u32 $0x60, s2;
	vm1 =	vne.s32 v21, v30;
	v5 =	vshll.u32 v5, $0x1;
	v30 =	vadd.s32 $0x2, v22;
	s24 =	sor.u32 s24, s23  }
0x10a: {  	s25 =	sor.u32 s25, s23;
	v25 =	vor.u32 v3, v25;
	vm2 =	vgt.f32 v6, v10;
	v9 =	vor.u32 v3, v9;
	s23 =	sor.u32 s26, s23;
	v11 =	vld [tilespmem:s24+$0x0]  }
0x10b: {  	v10 =	vsel vm2, $0x1, v62;
	vm1 =	vmor vm1, vm0;
	v31, v32, _ =	vpop (xrf1);
	v6 =	vld [tilespmem:s23+$0x0];
	v12 =	vmax.f32 v12, v14  }
0x10c: {  	v28 =	vor.u32 v3, v5;
	v14 =	vld [tilespmem:s25+$0x0];
	v31 =	vshrl.u32 v31, $0x4;
	vm2 =	vgt.f32 v12, v16  }
0x10d: {  	v16 =	vxor.u32 $0x8000000, v31;
	v12 =	vor.u32 v10, v28;
	v8, v5, _ =	vpop (xrf1);
	v1 =	vmax.f32 v7, v1;
	v27 =	vld.idx.msk [tilespmem:v27+s20+$0x0], $0xffff  }
0x10e: {  	v34, v7, _ =	vpop (xrf1);
	v8 =	vshrl.u32 v8, $0x4;
	v28 =	vld.idx.msk [tilespmem:v30+s20+$0x0], $0xffff;
	v30 =	vsel vm2, $0x1, v62;
	vm2 =	vgt.f32 v1, v18  }
0x10f: {  	(xrf1) =	vsort.ascd.msk.u32 $0xffff, v2, v12;
	v1 =	vld.idx.msk [tilespmem:v22+s20+$0x0], $0xffff;
	v34 =	vshrl.u32 v34, $0x4;
	v2 =	vor.u32 v30, v9;
	v9 =	vsel vm2, $0x1, v62  }
0x110: {  	v18 =	vmul.u32 $0x3, v11;
	v8 =	vxor.u32 $0x8000000, v8;
	v9 =	vor.u32 v9, v25;
	(xrf1) =	vsort.ascd.msk.u32 $0xffff, v13, v2  }
0x111: {  	v12 =	vmul.u32 $0x3, v6;
	v30 =	vperm.xlane v16, v63;
	v10 =	vmul.u32 $0x3, v14;
	(xrf1) =	vsort.ascd.msk.u32 $0xffff, v19, v9  }
0x112: {  	v31 =	vxor.u32 $0x8000000, v34;
	v6 =	vadd.s32 $0x1, v18;
	v22 =	vadd.s32 $0x2, v18  }
0x113: {  	vm3 =	vne.s32 v16, v30;
	v2 =	vadd.s32 $0x2, v10;
	v27 =	vmax.f32 v27, v28;
	v25, v36, _ =	vpop (xrf1)  }
0x114: {  	v14 =	vld [tilespmem:s24+$0x80];
	vm2 =	vgt.f32 v27, v1;
	v1 =	vperm.xlane v8, v63;
	v25 =	vshrl.u32 v25, $0x4  }
0x115: {  	v30 =	vperm.xlane v31, v63;
	v9 =	vnsel vm1, $0x2800, v21;
	v28 =	vld [tilespmem:s25+$0x80];
	v25 =	vxor.u32 $0x8000000, v25  }
0x116: {  	v11 =	vadd.s32 $0x1, v10;
	s25 =	simm.s32 $0xC720;
	v27 =	vld [tilespmem:s23+$0x80];
	vm4 =	vne.s32 v8, v1;
	v1 =	vperm.xlane v25, v63  }
0x117: {  	vm1 =	vne.s32 v31, v30;
	v30 =	vadd.s32 $0x1, v12;
	[tilespmem:s25+$0x10] =	vst v9;
	v9 =	vld [tilespmem:s22+$0x80]  }
0x118: {  	s24 =	simm.s32 $0xDBA0;
	vm3 =	vmor vm3, vm0;
	v21 =	vld.idx.msk [tilespmem:v6+s20+$0x0], $0xffff;
	v6 =	vadd.s32 $0x2, v12;
	vm5 =	vne.s32 v25, v1  }
0x119: {  	vm1 =	vmor vm1, vm0;
	[tilespmem:s24+$0x10] =	vst v23;
	v2 =	vld.idx.msk [tilespmem:v2+s20+$0x0], $0xffff;
	v1 =	vnsel vm3, $0x2800, v16;
	vm15 =	vmor vm5, vm0  }
0x11a: {  	s28 =	sadd.s32 $0xB0, s10;
	v16 =	vshll.u32 v14, $0x4;
	v14 =	vshll.u32 v28, $0x4;
	v28 =	vld.idx.msk [tilespmem:v22+s20+$0x0], $0xffff;
	[tilespmem:s25+$0xFFFFFFE0] =	vst v1;
	v25 =	vnsel vm15, $0x2800, v25  }
0x11b: {  	s22 =	simm.s32 $0xC760;
	v19 =	vnsel vm1, $0x2800, v31;
	vm3 =	vmor vm4, vm0;
	v22 =	vld.idx.msk [tilespmem:v11+s20+$0x0], $0xffff;
	v11 =	vmov s28;
	[tilespmem:s24+$0xFFFFFFE0] =	vst v32  }
0x11c: {  	s30 =	sadd.s32 $0xFFFFFFD0, s28;
	s29 =	sadd.s32 $0xFFFFFFE0, s28;
	s23 =	simm.s32 $0xDBE0;
	v23 =	vld.idx.msk [tilespmem:v30+s20+$0x0], $0xffff;
	v30 =	vsel vm2, $0x1, v62;
	v1 =	vnsel vm3, $0x2800, v8;
	v8 =	vshll.u32 v11, $0x1;
	[tilespmem:s22+$0x10] =	vst v25  }
0x11d: {  	s31 =	sadd.s32 $0xFFFFFFF0, s28;
	s26 =	simm.s32 $0x8;
	v13 =	vshll.u32 v27, $0x4;
	v27 =	vld.idx.msk [tilespmem:v6+s20+$0x0], $0xffff;
	v6 =	vshll.u32 v9, $0x4;
	s28 =	simm.s32 $0x180;
	v31 =	vor.u32 v3, v8;
	[tilespmem:s23+$0x10] =	vst v36;
	v25, v9, _ =	vpop (xrf1)  }
.LBB2_4:
0x11e: {  	s2 =	sand.u32 $0x3F00, s28;
	v8 =	vld.idx.msk [tilespmem:v18+s20+$0x0], $0xffff;
	v11 =	vmov s30;
	v34 =	vor.u32 v30, v31;
	v32 =	vxor.u32 v4, v6;
	s21 =	sadd.s32 $0x40, s21;
	v30, v31, _ =	vpop (xrf1);
	[tilespmem:s25+$0xFFFFFFF0] =	vst v1  }
0x11f: {  	v1 =	vmax.f32 v21, v28;
	v21 =	vmov s29;
	v28 =	vmov s31;
	s2 =	sadd.s32 $0x7580, s2;
	s30 =	sadd.s32 $0xFFFFFFE0, s21;
	s0 =	sand.u32 $0x70, s21;
	v10 =	vld.idx.msk [tilespmem:v10+s20+$0x0], $0xffff;
	(xrf1) =	vsort.ascd.msk.u32 $0xffff, v32, v34;
	v6, v18, _ =	vpop (xrf1)  }
0x120: {  	s26 =	sadd.s32 $0x4, s26;
	s31 =	sadd.s32 $0xFFFFFFF0, s21;
	v11 =	vshll.u32 v11, $0x1;
	v21 =	vshll.u32 v21, $0x1;
	v28 =	vshll.u32 v28, $0x1;
	s29 =	sor.u32 s0, s2;
	v12 =	vld.idx.msk [tilespmem:v12+s20+$0x0], $0xffff;
	[tilespmem:s24+$0xFFFFFFF0] =	vst v5;
	v5 =	vmovc v31  }
0x121: {  	p0 =	slt.u32 s26, $0x144;
	s0 =	sadd.s32 $0xFFFFFFD0, s21;
	s30 =	sand.u32 $0x50, s30;
	v11 =	vor.u32 v3, v11;
	v2 =	vmax.f32 v22, v2;
	v21 =	vor.u32 v3, v21;
	v31 =	vld [tilespmem:s29+$0x0];
	[tilespmem:s25+$0x0] =	vst v19  }
0x122: {  	v16 =	vxor.u32 v4, v16;
	v14 =	vxor.u32 v4, v14;
	s0 =	sand.u32 $0x40, s0;
	s30 =	sor.u32 s30, s2;
	s25 =	sand.u32 $0x60, s31;
	v19 =	vor.u32 v3, v28;
	[tilespmem:s24+$0x0] =	vst v7  }
0x123: {  	v13 =	vxor.u32 v4, v13;
	v25 =	vshrl.u32 v25, $0x4;
	s0 =	sor.u32 s0, s2;
	s2 =	sor.u32 s25, s2;
	v23 =	vmax.f32 v23, v27;
	v7 =	vmovc v18;
	s25 =	smov.u32 s22;
	v22 =	vld [tilespmem:s30+$0x0]  }
0x124: {  	v6 =	vshrl.u32 v6, $0x4;
	s24 =	smov.u32 s23;
	vm1 =	vgt.f32 v1, v8;
	v1 =	vshrl.u32 v30, $0x4;
	v18 =	vld [tilespmem:s0+$0x0]  }
0x125: {  	v27 =	vsel vm1, $0x1, v62;
	vm1 =	vgt.f32 v2, v10;
	v2 =	vxor.u32 $0x8000000, v25;
	v8 =	vld [tilespmem:s2+$0x0]  }
0x126: {  	v10 =	vsel vm1, $0x1, v62;
	vm1 =	vgt.f32 v23, v12;
	v25 =	vld [tilespmem:s0+$0x80];
	v28 =	vmul.u32 $0x3, v31  }
0x127: {  	v11 =	vor.u32 v27, v11;
	v12 =	vor.u32 v10, v21;
	v21 =	vsel vm1, $0x1, v62;
	v23 =	vld [tilespmem:s30+$0x80]  }
0x128: {  	v19 =	vor.u32 v21, v19;
	v10 =	vmul.u32 $0x3, v22;
	v22 =	vld [tilespmem:s2+$0x80];
	v27 =	vadd.s32 $0x1, v28;
	(xrf1) =	vsort.ascd.msk.u32 $0xffff, v16, v11  }
0x129: {  	v1 =	vxor.u32 $0x8000000, v1;
	v11 =	vadd.s32 $0x2, v28;
	v18 =	vmul.u32 $0x3, v18;
	(xrf1) =	vsort.ascd.msk.u32 $0xffff, v14, v12  }
0x12a: {  	v30 =	vadd.s32 $0x1, v10;
	v31 =	vadd.s32 $0x2, v10;
	v12 =	vmul.u32 $0x3, v8;
	(xrf1) =	vsort.ascd.msk.u32 $0xffff, v13, v19  }
0x12b: {  	v8 =	vadd.s32 $0x1, v18;
	v19 =	vadd.s32 $0x2, v18;
	v16 =	vshll.u32 v25, $0x4  }
0x12c: {  	v14 =	vshll.u32 v23, $0x4;
	v23 =	vadd.s32 $0x1, v12;
	v25 =	vadd.s32 $0x2, v12  }
0x12d: {  	v6 =	vxor.u32 $0x8000000, v6;
	v13 =	vshll.u32 v22, $0x4;
	v27 =	vld.idx.msk [tilespmem:v27+s20+$0x0], $0xffff;
	v21, v32, _ =	vpop (xrf1);
	v22 =	vperm.xlane v2, v63  }
0x12e: {  	v36 =	vperm.xlane v6, v63;
	v34 =	vperm.xlane v1, v63;
	v11 =	vld.idx.msk [tilespmem:v11+s20+$0x0], $0xffff;
	v21 =	vshrl.u32 v21, $0x4  }
0x12f: {  	v37 =	vld.idx.msk [tilespmem:v28+s20+$0x0], $0xffff;
	v39 =	vxor.u32 $0x8000000, v21;
	vm1 =	vne.s32 v2, v22  }
0x130: {  	vm3 =	vne.s32 v6, v36;
	vm2 =	vne.s32 v1, v34;
	v21 =	vld.idx.msk [tilespmem:v8+s20+$0x0], $0xffff;
	v8 =	vperm.xlane v39, v63  }
0x131: {  	vm3 =	vmor vm3, vm0;
	vm2 =	vmor vm2, vm0;
	vm1 =	vmor vm1, vm0;
	v34 =	vld [tilespmem:s29+$0x80]  }
.Ltmp1:
0x132: {  	v1 =	vnsel vm2, $0x2800, v1;
	v2 =	vnsel vm1, $0x2800, v2;
	v28 =	vld.idx.msk [tilespmem:v19+s20+$0x0], $0xffff;
	vm4 =	vne.s32 v39, v8;
	(pc) =	sbr.rel @p0 .LBB2_4-.Ltmp1, $4  }
0x133: {  	s0 =	sadd.s32 s21, s10;
	v19 =	vnsel vm3, $0x2800, v6;
	v22 =	vld.idx.msk [tilespmem:v30+s20+$0x0], $0xffff;
	vm1 =	vmor vm4, vm0;
	[tilespmem:s22+$0xFFFFFFE0] =	vst v2  }
0x134: {  	s30 =	sadd.s32 $0xFFFFFFD0, s0;
	s29 =	sadd.s32 $0xFFFFFFE0, s0;
	v8 =	vmov s0;
	v6 =	vmax.f32 v27, v11;
	s22 =	sadd.s32 $0x40, s22;
	v2 =	vld.idx.msk [tilespmem:v31+s20+$0x0], $0xffff;
	v11 =	vnsel vm1, $0x2800, v39;
	[tilespmem:s23+$0xFFFFFFE0] =	vst v9  }
0x135: {  	s31 =	sadd.s32 $0xFFFFFFF0, s0;
	vm1 =	vgt.f32 v6, v37;
	v6 =	vshll.u32 v8, $0x1;
	s23 =	sadd.s32 $0x40, s23;
	v23 =	vld.idx.msk [tilespmem:v23+s20+$0x0], $0xffff;
	[tilespmem:s22+$0x10] =	vst v11  }
0x136: {  	s28 =	sadd.s32 $0x80, s28;
	v30 =	vsel vm1, $0x1, v62;
	v31 =	vor.u32 v3, v6;
	v27 =	vld.idx.msk [tilespmem:v25+s20+$0x0], $0xffff;
	v6 =	vshll.u32 v34, $0x4;
	[tilespmem:s23+$0x10] =	vst v32;
	v25, v9, _ =	vpop (xrf1)  }
0x137: {  	_ =	sdelay $0x3  }
0x138: {  	v8 =	vld.idx.msk [tilespmem:v18+s20+$0x0], $0xffff;
	_ =	sdelay $0x1  }
0x139: {  	v11 =	vor.u32 v30, v31;
	v6 =	vxor.u32 v4, v6;
	v10 =	vld.idx.msk [tilespmem:v10+s20+$0x0], $0xffff  }
0x13a: {  	v37 =	vmov s30;
	v39 =	vmax.f32 v21, v28;
	(xrf1) =	vsort.ascd.msk.u32 $0xffff, v6, v11  }
0x13b: {  	v18 =	vmov s29;
	v21 =	vmov s31;
	v12 =	vld.idx.msk [tilespmem:v12+s20+$0x0], $0xffff;
	v32 =	vxor.u32 v4, v16  }
0x13c: {  	v6 =	vshll.u32 v37, $0x1;
	v18 =	vshll.u32 v18, $0x1;
	vm1 =	vgt.f32 v39, v8  }
0x13d: {  	v6 =	vor.u32 v3, v6;
	v2 =	vmax.f32 v22, v2;
	v8 =	vsel vm1, $0x1, v62  }
0x13e: {  	v21 =	vshll.u32 v21, $0x1;
	vm1 =	vgt.f32 v2, v10;
	v2 =	vor.u32 v8, v6  }
0x13f: {  	v34 =	vor.u32 v3, v18;
	v36 =	vmax.f32 v23, v27;
	v10 =	vsel vm1, $0x1, v62;
	(xrf1) =	vsort.ascd.msk.u32 $0xffff, v32, v2  }
0x140: {  	vm1 =	vgt.f32 v36, v12;
	v2 =	vxor.u32 v4, v14;
	v6 =	vor.u32 v10, v34  }
0x141: {  	v3 =	vor.u32 v3, v21;
	v8 =	vsel vm1, $0x1, v62;
	(xrf1) =	vsort.ascd.msk.u32 $0xffff, v2, v6  }
0x142: {  	v2 =	vxor.u32 v4, v13;
	v3 =	vor.u32 v8, v3  }
0x143: {  	v39 =	vshrl.u32 v25, $0x4;
	(xrf1) =	vsort.ascd.msk.u32 $0xffff, v2, v3  }
0x144: {  	v8 =	vxor.u32 $0x8000000, v39  }
0x145: {  	v12 =	vperm.xlane v8, v63  }
0x146: {  	v2, v3, _ =	vpop (xrf1)  }
0x147: {  	vm1 =	vne.s32 v8, v12;
	v37, v6, _ =	vpop (xrf1)  }
0x148: {  	[tilespmem:s25+$0xFFFFFFF0] =	vst v1;
	vm1 =	vmor vm1, vm0;
	v1 =	vshrl.u32 v2, $0x4;
	v32, v11, _ =	vpop (xrf1)  }
0x149: {  	v8 =	vnsel vm1, $0x2800, v8;
	v1 =	vxor.u32 $0x8000000, v1;
	v10 =	vshrl.u32 v32, $0x4  }
0x14a: {  	[tilespmem:s25+$0x0] =	vst v19;
	v2 =	vshrl.u32 v37, $0x4;
	v37 =	vperm.xlane v1, v63;
	v34 =	vxor.u32 $0x8000000, v10  }
0x14b: {  	[tilespmem:s24+$0xFFFFFFF0] =	vst v5;
	v2 =	vxor.u32 $0x8000000, v2;
	v36 =	vperm.xlane v34, v63  }
0x14c: {  	[tilespmem:s24+$0x0] =	vst v7;
	v39 =	vperm.xlane v2, v63;
	vm1 =	vne.s32 v1, v37  }
0x14d: {  	[tilespmem:s22+$0xFFFFFFE0] =	vst v8;
	vm1 =	vmor vm1, vm0;
	vm2 =	vne.s32 v34, v36;
	v32, v8, _ =	vpop (xrf1)  }
0x14e: {  	[tilespmem:s23+$0xFFFFFFE0] =	vst v9;
	v1 =	vnsel vm1, $0x2800, v1;
	vm2 =	vmor vm2, vm0;
	v5 =	vshrl.u32 v32, $0x4  }
0x14f: {  	s0 =	sadd.s32 $0x40, s22;
	vm3 =	vne.s32 v2, v39;
	[tilespmem:s22+$0xFFFFFFF0] =	vst v1;
	v4 =	vnsel vm2, $0x2800, v34;
	v36, v34, _ =	vpop (xrf1);
	v5 =	vxor.u32 $0x8000000, v5  }
0x150: {  	vm2 =	vmor vm3, vm0;
	[tilespmem:s0+$0x10] =	vst v4;
	v4 =	vshrl.u32 v36, $0x4;
	v37 =	vperm.xlane v5, v63  }
0x151: {  	s2 =	sadd.s32 $0x40, s23;
	[tilespmem:s23+$0xFFFFFFF0] =	vst v3;
	v2 =	vnsel vm2, $0x2800, v2;
	v1, v39, _ =	vpop (xrf1);
	v4 =	vxor.u32 $0x8000000, v4  }
0x152: {  	[tilespmem:s2+$0x10] =	vst v11;
	v1 =	vshrl.u32 v1, $0x4;
	v3 =	vperm.xlane v4, v63;
	vm1 =	vne.s32 v5, v37  }
0x153: {  	[tilespmem:s22+$0x0] =	vst v2;
	v1 =	vxor.u32 $0x8000000, v1;
	vm1 =	vmor vm1, vm0  }
0x154: {  	[tilespmem:s23+$0x0] =	vst v6;
	v2 =	vperm.xlane v1, v63;
	vm2 =	vne.s32 v4, v3;
	v3 =	vnsel vm1, $0x2800, v5  }
0x155: {  	vm1 =	vmor vm2, vm0;
	[tilespmem:s0+$0xFFFFFFE0] =	vst v3  }
0x156: {  	vm2 =	vne.s32 v1, v2;
	v2 =	vnsel vm1, $0x2800, v4;
	[tilespmem:s2+$0xFFFFFFE0] =	vst v8  }
0x157: {  	vm1 =	vmor vm2, vm0;
	[tilespmem:s0+$0xFFFFFFF0] =	vst v2  }
0x158: {  	v1 =	vnsel vm1, $0x2800, v1;
	[tilespmem:s2+$0xFFFFFFF0] =	vst v34  }
0x159: {  	[tilespmem:s0+$0x0] =	vst v1  }
0x15a: {  	[tilespmem:s2+$0x0] =	vst v39  }
.LBB2_6:
0x15b: {  	s0 =	sshra.s32 s20, $0x2  }
0x15c: {  	v1 =	vld [tilespmem:s0+$0xC700];
	_ =	sdelay $0x2  }
0x15d: {  	v2 =	vld [tilespmem:s0+$0xDB80];
	_ =	sdelay $0x4  }
0x15e: {  	[tilespmem:v1+s18+$0x0] =	vst.idx.msk $0xffff, v2  }
0x15f: {  	v1 =	vld [tilespmem:s0+$0xC710];
	_ =	sdelay $0x2  }
0x160: {  	v2 =	vld [tilespmem:s0+$0xDB90];
	_ =	sdelay $0x4  }
0x161: {  	[tilespmem:v1+s18+$0x0] =	vst.idx.msk $0xffff, v2  }
0x162: {  	v1 =	vld [tilespmem:s0+$0xC720];
	_ =	sdelay $0x2  }
0x163: {  	v2 =	vld [tilespmem:s0+$0xDBA0];
	_ =	sdelay $0x4  }
0x164: {  	[tilespmem:v1+s18+$0x0] =	vst.idx.msk $0xffff, v2  }
0x165: {  	v1 =	vld [tilespmem:s0+$0xC730];
	_ =	sdelay $0x2  }
0x166: {  	p0 =	sne.s32 s20, $0x5100;
	v2 =	vld [tilespmem:s0+$0xDBB0]  }
.Ltmp2:
0x167: {  	_ = 	snop;
	(pc) =	sbr.rel @p0 .LBB2_6-.Ltmp2, $2  }
0x168: {  	_ =	sdelay $0x2  }
0x169: {  	s20 =	sadd.s32 $0x100, s20;
	[tilespmem:v1+s18+$0x0] =	vst.idx.msk $0xffff, v2  }
0x16a: {  	s19 =	sadd.s32 $0x1, s19  }
0x16b: {  	p0 =	sne.s32 s19, s9  }
.Ltmp3:
0x16c: {  	_ = 	snop;
	(pc) =	sbr.rel @p0 .LBB2_1-.Ltmp3, $4  }
0x16d: {  	[hbm4b:s8+s3] =	stream.linear.scatter [tilespmem:s18], [sflag:$0x3], $0x2800, $0x38;
	[tilespmem:$0xF400] =	vst v63  }
0x16e: {  	_ =	swait.ge [sflag:s15], $0x2800  }
0x16f: {  	[sflag:s15] =	ssyncset.done $0x0  }
0x170: {  	[sflag:s15] =	ssyncadd.s32 $0xFFFFD800  }
0x171: {  	_ =	sfence.sel $0x180000  }
0x172: {  	[bflag:$0x0] =	sbarrier.arrive $0xFFFF  }
0x173: {  	_ =	strace $0x90000047  }
0x174: {  	s0 =	stileid.u32;
	[bflag:$0x2] =	sbarrier.arrive $0xFFFF  }
0x175: {  	p0 =	sne.s32 s0, $0x0;
	s0 =	rddreg [dreg:$0x3]  }
0x176: {  	s0 =	sadd.s32 @!p0 $0x100000, s0  }
0x177: {  	[sflag:s0] =	ssyncadd.tile.s32 @!p0 $0x1;
	_ =	shalt  }
.Lfunc_end2:
_tile_overlayer_lowered:
.L_overlay_start_2:
0x178: {  	(tag) =	ssettag $0x2  }
0x179: {  	s0 =	rddreg [dreg:$0x0];
	s2 =	stileid.u32  }
0x17a: {  	s1 =	rddreg [dreg:$0x1];
	p0 =	sne.s32 s2, $0x0  }
0x17b: {  	s3 =	rddreg [dreg:$0x2];
	[bflag:$0x3] =	sbarrier.arrive $0xFFFF;
	s2 =	simm.s32 @!p0 $0x1C03  }
0x17c: {  	[timem:s3], [sflag:s2] =	dma.local @!p0 [hbm:s0], s1  }
0x17d: {  	s0 =	simm.s32 @!p0 $0x3  }
0x17e: {  	_ =	swait.ge @!p0 [sflag:s0], s1  }
0x17f: {  	s1 =	ssub.s32 @!p0 $0x0, s1;
	[sflag:s0] =	ssyncset.done @!p0 $0x0  }
0x180: {  	[sflag:s0] =	ssyncadd.s32 @!p0 s1  }
0x181: {  	[bflag:$0x3] =	sbarrier.arrive $0xFFFF  }
0x182: {  	_ =	shalt  }

</sc_bundles>
